<compile_context>
chip_gen: v7x
topology: tpu7x:2x2x1
jax: 0.10.2.dev20260603
libtpu: 0.0.44.dev20260713+nightly
codegen_flags: <defaults>
</compile_context>

<pallas_src>
import functools

import jax
import jax.numpy as jnp
from jax import lax
from jax.experimental import pallas as pl
from jax.experimental.pallas import tpu as pltpu
from jax.experimental.pallas import tpu_sc as plsc

NUM_CORES = 2
NUM_SUBCORES = 16
NW = NUM_CORES * NUM_SUBCORES

BATCH = 4096
HIST = 200
D = 64
DP = 128
ROWS_W = BATCH // NW
STEPS = 2 * ROWS_W
SPLIT = 96
SZ = (SPLIT, HIST - SPLIT)
NBUF = 4

_mesh = plsc.VectorSubcoreMesh(
    core_axis_name="c", subcore_axis_name="s",
    num_cores=NUM_CORES, num_subcores=NUM_SUBCORES)


@functools.partial(
    pl.kernel,
    out_type=jax.ShapeDtypeStruct((BATCH * HIST, DP), jnp.float32),
    mesh=_mesh,
    scratch_types=[
        pltpu.VMEM((ROWS_W, HIST), jnp.int32),
        [pltpu.VMEM((HIST - SPLIT, DP), jnp.float32) for _ in range(NBUF)],
        [pltpu.SemaphoreType.DMA for _ in range(NBUF)],
        [pltpu.SemaphoreType.DMA for _ in range(NBUF)],
    ],
    compiler_params=pltpu.CompilerParams(
        use_tc_tiling_on_sc=False, skip_device_barrier=True),
)
def _gather_kernel(table_hbm, idx_hbm, out_hbm, idx_v, rows, gsem, wsem):
    wid = lax.axis_index("s") * NUM_CORES + lax.axis_index("c")
    row0 = wid * ROWS_W
    pltpu.sync_copy(idx_hbm.at[pl.ds(row0, ROWS_W)], idx_v)

    def fire_gather(s, k, b):
        r, h = s // 2, k % 2
        pltpu.make_async_copy(
            table_hbm.at[idx_v.at[r, pl.ds(h * SPLIT, SZ[h])]],
            rows[b].at[pl.ds(0, SZ[h])], gsem[b]).start()

    def wait_gather(k, b):
        h = k % 2
        pltpu.make_async_copy(
            table_hbm.at[idx_v.at[0, pl.ds(0, SZ[h])]],
            rows[b].at[pl.ds(0, SZ[h])], gsem[b]).wait()

    def fire_write(s, k, b):
        r, h = s // 2, k % 2
        pltpu.make_async_copy(
            rows[b].at[pl.ds(0, SZ[h])],
            out_hbm.at[pl.ds((row0 + r) * HIST + h * SPLIT, SZ[h])],
            wsem[b]).start()

    def wait_write(k, b):
        h = k % 2
        pltpu.make_async_copy(
            rows[b].at[pl.ds(0, SZ[h])],
            out_hbm.at[pl.ds(0, SZ[h])], wsem[b]).wait()

    for s0 in range(NBUF - 1):
        fire_gather(s0, s0, s0)

    @pl.loop(0, STEPS, step=NBUF)
    def _grp(g):
        for k in range(NBUF):
            s = g + k
            bg = (k + NBUF - 1) % NBUF
            kg = (k + NBUF - 1) % NBUF

            @pl.when(s >= 1)
            def _():
                wait_write(kg, bg)

            @pl.when(s + NBUF - 1 < STEPS)
            def _():
                fire_gather(s + NBUF - 1, kg, bg)

            wait_gather(k, k)
            fire_write(s, k, k)

    wait_write((STEPS - 1) % NBUF, (STEPS - 1) % NBUF)


def kernel(input_, weight):
    wp = jnp.pad(weight, ((0, 0), (0, DP - D)))
    outp = _gather_kernel(wp, input_)
    return outp[:, :D].reshape(BATCH, HIST, D)

# --- scband reference (transcript-rebuilt; emitter-appended) ---
"""Pipeline reference for scband-embedding1-d-37185826849021 (READ-ONLY COPY).

The authoritative reference and input builder live on the scoring server;
editing this copy changes nothing except your own understanding.
"""

import jax, jax.numpy as jnp
import numpy as np

NUM_EMBEDDINGS = 1000000
EMBED_DIM = 64
BATCH = 4096
HIST_LEN = 200


def setup_inputs(seed: int = 0) -> dict:
    key = jax.random.key(seed)
    k_idx, k_w = jax.random.split(key)
    input_ = jax.random.randint(k_idx, (BATCH, HIST_LEN), 0, NUM_EMBEDDINGS, dtype=jnp.int32)
    # Learned parameter: embedding table (tensor_parallel_size = 1, so full embed dim)
    weight = jax.random.normal(k_w, (NUM_EMBEDDINGS, EMBED_DIM), dtype=jnp.float32) * 0.02
    return {"input_": input_, "weight": weight}


def reference(input_, weight):
    # F.embedding(input_, weight) == row gather from the table.
    # gather_forward_split_backward is an identity in the forward pass on a
    # single shard (tensor_parallel_size = 1); sequence_parallel split is a no-op.
    output = jnp.take(weight, input_, axis=0)  # [B, L, D]
    return output

if __name__ == "__main__":
    import jax
    _d = setup_inputs()
    print(jax.jit(kernel)(*tuple(_d.values())))

</pallas_src>

<mosaic_0001>
#map = affine_map<(d0, d1) -> (0, 0)>
module attributes {stable_mosaic.version = 14 : i64} {
  func.func @_gather_kernel(%arg0: i32, %arg1: i32, %arg2: memref<1000000x128xf32, #tpu.memory_space<hbm>>, %arg3: memref<4096x200xi32, #tpu.memory_space<hbm>>, %arg4: memref<819200x128xf32, #tpu.memory_space<hbm>>, %arg5: memref<128x200xi32, #tpu.memory_space<vmem>>, %arg6: memref<104x128xf32, #tpu.memory_space<vmem>>, %arg7: memref<104x128xf32, #tpu.memory_space<vmem>>, %arg8: memref<104x128xf32, #tpu.memory_space<vmem>>, %arg9: memref<104x128xf32, #tpu.memory_space<vmem>>, %arg10: memref<!tpu.dma_semaphore, #tpu.memory_space<semaphore_mem>>, %arg11: memref<!tpu.dma_semaphore, #tpu.memory_space<semaphore_mem>>, %arg12: memref<!tpu.dma_semaphore, #tpu.memory_space<semaphore_mem>>, %arg13: memref<!tpu.dma_semaphore, #tpu.memory_space<semaphore_mem>>, %arg14: memref<!tpu.dma_semaphore, #tpu.memory_space<semaphore_mem>>, %arg15: memref<!tpu.dma_semaphore, #tpu.memory_space<semaphore_mem>>, %arg16: memref<!tpu.dma_semaphore, #tpu.memory_space<semaphore_mem>>, %arg17: memref<!tpu.dma_semaphore, #tpu.memory_space<semaphore_mem>>) attributes {dimension_semantics = [#tpu.dimension_semantics<core_parallel>, #tpu.dimension_semantics<subcore_parallel>], iteration_bounds = array<i64: 2, 16>, scalar_prefetch = 0 : i64, scratch_operands = 13 : i64, tpu.core_type = #tpu.core_type<sc_vector_subcore>, window_params = [{transform_indices = #map}, {transform_indices = #map}, {transform_indices = #map}]} {
    %mul3A = arith.constant 2 : i32
    %mul3A_0 = arith.muli %arg1, %mul3A : i32
    %add3A = arith.addi %mul3A_0, %arg0 : i32
    %mul3A_1 = arith.constant 128 : i32
    %mul3A_2 = arith.muli %add3A, %mul3A_1 : i32
    "tpu.region"() ({
      %run_scoped3A = tpu.sem_alloc : memref<!tpu.dma_semaphore, #tpu.memory_space<semaphore_mem>>
      %dma_start3A_47 = arith.constant 0 : i32
      %dma_start3A_48 = tpu.memref_slice %arg3[%mul3A_2, %dma_start3A_47] : memref<4096x200xi32, #tpu.memory_space<hbm>> -> memref<128x200xi32, #tpu.memory_space<hbm>>
      %dma_start3A_49 = arith.constant 0 : i32
      %dma_start3A_50 = tpu.memref_slice %arg3[%mul3A_2, %dma_start3A_49] : memref<4096x200xi32, #tpu.memory_space<hbm>> -> memref<128x200xi32, #tpu.memory_space<hbm>>
      tpu.enqueue_dma source(%dma_start3A_50 : memref<128x200xi32, #tpu.memory_space<hbm>>) target(%arg5 : memref<128x200xi32, #tpu.memory_space<vmem>>) target_semaphore(%run_scoped3A : memref<!tpu.dma_semaphore, #tpu.memory_space<semaphore_mem>>)
      %dma_wait3A_51 = arith.constant 0 : i32
      %dma_wait3A_52 = tpu.memref_slice %arg3[%mul3A_2, %dma_wait3A_51] : memref<4096x200xi32, #tpu.memory_space<hbm>> -> memref<128x200xi32, #tpu.memory_space<hbm>>
      %dma_wait3A_53 = arith.constant 0 : i32
      %dma_wait3A_54 = tpu.memref_slice %arg3[%mul3A_2, %dma_wait3A_53] : memref<4096x200xi32, #tpu.memory_space<hbm>> -> memref<128x200xi32, #tpu.memory_space<hbm>>
      tpu.wait_dma2 semaphore(%run_scoped3A : memref<!tpu.dma_semaphore, #tpu.memory_space<semaphore_mem>>) src(%dma_wait3A_54 : memref<128x200xi32, #tpu.memory_space<hbm>>) dst(%arg5 : memref<128x200xi32, #tpu.memory_space<vmem>>)
      tpu.yield
    }) : () -> ()
    %dma_start3A = arith.constant 0 : i32
    %dma_start3A_3 = arith.constant 0 : i32
    %dma_start3A_4 = arith.constant 0 : i32
    %dma_start3A_5 = tpu.memref_slice %arg6[%dma_start3A_3, %dma_start3A_4] : memref<104x128xf32, #tpu.memory_space<vmem>> -> memref<96x128xf32, #tpu.memory_space<vmem>>
    %dma_start3A_6 = arith.constant 0 : i32
    %dma_start3A_7 = tpu.memref_slice %arg5[%dma_start3A, %dma_start3A_6] : memref<128x200xi32, #tpu.memory_space<vmem>> -> memref<1x96xi32, #tpu.memory_space<vmem>>
    %dma_start3A_8 = tpu.memref_squeeze %dma_start3A_7 : memref<1x96xi32, #tpu.memory_space<vmem>> -> memref<96xi32, #tpu.memory_space<vmem>>
    %dma_start3A_9 = arith.constant 0 : i32
    %dma_start3A_10 = arith.constant 0 : i32
    %dma_start3A_11 = tpu.memref_slice %arg2[%dma_start3A_9, %dma_start3A_10] : memref<1000000x128xf32, #tpu.memory_space<hbm>> -> memref<1000000x128xf32, #tpu.memory_space<hbm>>
    tpu.enqueue_indirect_dma source(%dma_start3A_11 : memref<1000000x128xf32, #tpu.memory_space<hbm>>) target(%dma_start3A_5 : memref<96x128xf32, #tpu.memory_space<vmem>>) offsets(%dma_start3A_8 : memref<96xi32, #tpu.memory_space<vmem>>) semaphore(%arg10 : memref<!tpu.dma_semaphore, #tpu.memory_space<semaphore_mem>>)
    %dma_start3A_12 = arith.constant 0 : i32
    %dma_start3A_13 = arith.constant 0 : i32
    %dma_start3A_14 = arith.constant 0 : i32
    %dma_start3A_15 = tpu.memref_slice %arg7[%dma_start3A_13, %dma_start3A_14] : memref<104x128xf32, #tpu.memory_space<vmem>> -> memref<104x128xf32, #tpu.memory_space<vmem>>
    %dma_start3A_16 = arith.constant 96 : i32
    %dma_start3A_17 = tpu.memref_slice %arg5[%dma_start3A_12, %dma_start3A_16] : memref<128x200xi32, #tpu.memory_space<vmem>> -> memref<1x104xi32, #tpu.memory_space<vmem>>
    %dma_start3A_18 = tpu.memref_squeeze %dma_start3A_17 : memref<1x104xi32, #tpu.memory_space<vmem>> -> memref<104xi32, #tpu.memory_space<vmem>>
    %dma_start3A_19 = arith.constant 0 : i32
    %dma_start3A_20 = arith.constant 0 : i32
    %dma_start3A_21 = tpu.memref_slice %arg2[%dma_start3A_19, %dma_start3A_20] : memref<1000000x128xf32, #tpu.memory_space<hbm>> -> memref<1000000x128xf32, #tpu.memory_space<hbm>>
    tpu.enqueue_indirect_dma source(%dma_start3A_21 : memref<1000000x128xf32, #tpu.memory_space<hbm>>) target(%dma_start3A_15 : memref<104x128xf32, #tpu.memory_space<vmem>>) offsets(%dma_start3A_18 : memref<104xi32, #tpu.memory_space<vmem>>) semaphore(%arg11 : memref<!tpu.dma_semaphore, #tpu.memory_space<semaphore_mem>>)
    %dma_start3A_22 = arith.constant 1 : i32
    %dma_start3A_23 = arith.constant 0 : i32
    %dma_start3A_24 = arith.constant 0 : i32
    %dma_start3A_25 = tpu.memref_slice %arg8[%dma_start3A_23, %dma_start3A_24] : memref<104x128xf32, #tpu.memory_space<vmem>> -> memref<96x128xf32, #tpu.memory_space<vmem>>
    %dma_start3A_26 = arith.constant 0 : i32
    %dma_start3A_27 = tpu.memref_slice %arg5[%dma_start3A_22, %dma_start3A_26] : memref<128x200xi32, #tpu.memory_space<vmem>> -> memref<1x96xi32, #tpu.memory_space<vmem>>
    %dma_start3A_28 = tpu.memref_squeeze %dma_start3A_27 : memref<1x96xi32, #tpu.memory_space<vmem>> -> memref<96xi32, #tpu.memory_space<vmem>>
    %dma_start3A_29 = arith.constant 0 : i32
    %dma_start3A_30 = arith.constant 0 : i32
    %dma_start3A_31 = tpu.memref_slice %arg2[%dma_start3A_29, %dma_start3A_30] : memref<1000000x128xf32, #tpu.memory_space<hbm>> -> memref<1000000x128xf32, #tpu.memory_space<hbm>>
    tpu.enqueue_indirect_dma source(%dma_start3A_31 : memref<1000000x128xf32, #tpu.memory_space<hbm>>) target(%dma_start3A_25 : memref<96x128xf32, #tpu.memory_space<vmem>>) offsets(%dma_start3A_28 : memref<96xi32, #tpu.memory_space<vmem>>) semaphore(%arg12 : memref<!tpu.dma_semaphore, #tpu.memory_space<semaphore_mem>>)
    %scan3A = arith.constant 0 : i32
    %scan3A_32 = arith.constant 64 : i32
    %scan3A_33 = arith.addi %scan3A, %scan3A_32 : i32
    %scan3A_34 = arith.constant 1 : i32
    scf.for %scan3A_47 = %scan3A to %scan3A_33 step %scan3A_34  : i32 {
      %mul3A_48 = arith.constant 4 : i32
      %mul3A_49 = arith.muli %scan3A_47, %mul3A_48 : i32
      %add3A_50 = arith.constant 0 : i32
      %add3A_51 = arith.addi %add3A_50, %mul3A_49 : i32
      %add3A_52 = arith.constant 0 : i32
      %add3A_53 = arith.addi %add3A_51, %add3A_52 : i32
      %ge3A = arith.constant 1 : i32
      %ge3A_54 = arith.cmpi sge, %add3A_53, %ge3A : i32
      %convert_element_type3A = arith.extui %ge3A_54 : i1 to i32
      %cond3A = arith.constant 0 : i32
      %cond3A_55 = arith.cmpi ne, %convert_element_type3A, %cond3A : i32
      scf.if %cond3A_55 {
        %dma_wait3A_300 = arith.constant 0 : i32
        %dma_wait3A_301 = arith.constant 0 : i32
        %dma_wait3A_302 = tpu.memref_slice %arg9[%dma_wait3A_300, %dma_wait3A_301] : memref<104x128xf32, #tpu.memory_space<vmem>> -> memref<104x128xf32, #tpu.memory_space<vmem>>
        %dma_wait3A_303 = arith.constant 0 : i32
        %dma_wait3A_304 = arith.constant 0 : i32
        %dma_wait3A_305 = tpu.memref_slice %arg4[%dma_wait3A_303, %dma_wait3A_304] : memref<819200x128xf32, #tpu.memory_space<hbm>> -> memref<104x128xf32, #tpu.memory_space<hbm>>
        %dma_wait3A_306 = arith.constant 0 : i32
        %dma_wait3A_307 = arith.constant 0 : i32
        %dma_wait3A_308 = tpu.memref_slice %arg4[%dma_wait3A_306, %dma_wait3A_307] : memref<819200x128xf32, #tpu.memory_space<hbm>> -> memref<104x128xf32, #tpu.memory_space<hbm>>
        %dma_wait3A_309 = arith.constant 0 : i32
        %dma_wait3A_310 = arith.constant 0 : i32
        %dma_wait3A_311 = tpu.memref_slice %arg9[%dma_wait3A_309, %dma_wait3A_310] : memref<104x128xf32, #tpu.memory_space<vmem>> -> memref<104x128xf32, #tpu.memory_space<vmem>>
        tpu.wait_dma2 semaphore(%arg17 : memref<!tpu.dma_semaphore, #tpu.memory_space<semaphore_mem>>) src(%dma_wait3A_311 : memref<104x128xf32, #tpu.memory_space<vmem>>) dst(%dma_wait3A_308 : memref<104x128xf32, #tpu.memory_space<hbm>>)
      } else {
      }
      %add3A_56 = arith.constant 4 : i32
      %add3A_57 = arith.addi %add3A_53, %add3A_56 : i32
      %sub3A = arith.constant 1 : i32
      %sub3A_58 = arith.subi %add3A_57, %sub3A : i32
      %lt3A = arith.constant 256 : i32
      %lt3A_59 = arith.cmpi slt, %sub3A_58, %lt3A : i32
      %convert_element_type3A_60 = arith.extui %lt3A_59 : i1 to i32
      %cond3A_61 = arith.constant 0 : i32
      %cond3A_62 = arith.cmpi ne, %convert_element_type3A_60, %cond3A_61 : i32
      scf.if %cond3A_62 {
        %add3A_300 = arith.constant 4 : i32
        %add3A_301 = arith.addi %add3A_53, %add3A_300 : i32
        %sub3A_302 = arith.constant 1 : i32
        %sub3A_303 = arith.subi %add3A_301, %sub3A_302 : i32
        %jit3A_304 = arith.constant 2 : i32
        %div3A_305 = arith.divsi %sub3A_303, %jit3A_304 : i32
        %sign3A_306 = arith.constant 0 : i32
        %sign3A_307 = arith.cmpi sgt, %sub3A_303, %sign3A_306 : i32
        %sign3A_308 = arith.extui %sign3A_307 : i1 to i32
        %sign3A_309 = arith.constant 0 : i32
        %sign3A_310 = arith.cmpi slt, %sub3A_303, %sign3A_309 : i32
        %sign3A_311 = arith.extui %sign3A_310 : i1 to i32
        %sign3A_312 = arith.subi %sign3A_308, %sign3A_311 : i32
        %sign3A_313 = arith.constant 0 : i32
        %sign3A_314 = arith.cmpi sgt, %jit3A_304, %sign3A_313 : i32
        %sign3A_315 = arith.extui %sign3A_314 : i1 to i32
        %sign3A_316 = arith.constant 0 : i32
        %sign3A_317 = arith.cmpi slt, %jit3A_304, %sign3A_316 : i32
        %sign3A_318 = arith.extui %sign3A_317 : i1 to i32
        %sign3A_319 = arith.subi %sign3A_315, %sign3A_318 : i32
        %ne3A_320 = arith.cmpi ne, %sign3A_312, %sign3A_319 : i32
        %rem3A_321 = arith.remsi %sub3A_303, %jit3A_304 : i32
        %ne3A_322 = arith.constant 0 : i32
        %ne3A_323 = arith.cmpi ne, %rem3A_321, %ne3A_322 : i32
        %and3A_324 = arith.andi %ne3A_320, %ne3A_323 : i1
        %sub3A_325 = arith.constant 1 : i32
        %sub3A_326 = arith.subi %div3A_305, %sub3A_325 : i32
        %select_n3A_327 = arith.select %and3A_324, %sub3A_326, %div3A_305 : i32
        %dma_start3A_328 = arith.constant 0 : i32
        %dma_start3A_329 = arith.constant 0 : i32
        %dma_start3A_330 = tpu.memref_slice %arg9[%dma_start3A_328, %dma_start3A_329] : memref<104x128xf32, #tpu.memory_space<vmem>> -> memref<104x128xf32, #tpu.memory_space<vmem>>
        %dma_start3A_331 = arith.constant 96 : i32
        %dma_start3A_332 = tpu.memref_slice %arg5[%select_n3A_327, %dma_start3A_331] : memref<128x200xi32, #tpu.memory_space<vmem>> -> memref<1x104xi32, #tpu.memory_space<vmem>>
        %dma_start3A_333 = tpu.memref_squeeze %dma_start3A_332 : memref<1x104xi32, #tpu.memory_space<vmem>> -> memref<104xi32, #tpu.memory_space<vmem>>
        %dma_start3A_334 = arith.constant 0 : i32
        %dma_start3A_335 = arith.constant 0 : i32
        %dma_start3A_336 = tpu.memref_slice %arg2[%dma_start3A_334, %dma_start3A_335] : memref<1000000x128xf32, #tpu.memory_space<hbm>> -> memref<1000000x128xf32, #tpu.memory_space<hbm>>
        tpu.enqueue_indirect_dma source(%dma_start3A_336 : memref<1000000x128xf32, #tpu.memory_space<hbm>>) target(%dma_start3A_330 : memref<104x128xf32, #tpu.memory_space<vmem>>) offsets(%dma_start3A_333 : memref<104xi32, #tpu.memory_space<vmem>>) semaphore(%arg13 : memref<!tpu.dma_semaphore, #tpu.memory_space<semaphore_mem>>)
      } else {
      }
      %dma_wait3A_63 = arith.constant 0 : i32
      %dma_wait3A_64 = arith.constant 0 : i32
      %dma_wait3A_65 = arith.constant 0 : i32
      %dma_wait3A_66 = tpu.memref_slice %arg6[%dma_wait3A_64, %dma_wait3A_65] : memref<104x128xf32, #tpu.memory_space<vmem>> -> memref<96x128xf32, #tpu.memory_space<vmem>>
      %dma_wait3A_67 = arith.constant 0 : i32
      %dma_wait3A_68 = tpu.memref_slice %arg5[%dma_wait3A_63, %dma_wait3A_67] : memref<128x200xi32, #tpu.memory_space<vmem>> -> memref<1x96xi32, #tpu.memory_space<vmem>>
      %dma_wait3A_69 = tpu.memref_squeeze %dma_wait3A_68 : memref<1x96xi32, #tpu.memory_space<vmem>> -> memref<96xi32, #tpu.memory_space<vmem>>
      %dma_wait3A_70 = arith.constant 0 : i32
      %dma_wait3A_71 = arith.constant 0 : i32
      %dma_wait3A_72 = tpu.memref_slice %arg2[%dma_wait3A_70, %dma_wait3A_71] : memref<1000000x128xf32, #tpu.memory_space<hbm>> -> memref<1000000x128xf32, #tpu.memory_space<hbm>>
      tpu.wait_indirect_dma semaphore(%arg10 : memref<!tpu.dma_semaphore, #tpu.memory_space<semaphore_mem>>) src(%dma_wait3A_72 : memref<1000000x128xf32, #tpu.memory_space<hbm>>) dst(%dma_wait3A_66 : memref<96x128xf32, #tpu.memory_space<vmem>>)
      %jit3A = arith.constant 2 : i32
      %div3A = arith.divsi %add3A_53, %jit3A : i32
      %sign3A = arith.constant 0 : i32
      %sign3A_73 = arith.cmpi sgt, %add3A_53, %sign3A : i32
      %sign3A_74 = arith.extui %sign3A_73 : i1 to i32
      %sign3A_75 = arith.constant 0 : i32
      %sign3A_76 = arith.cmpi slt, %add3A_53, %sign3A_75 : i32
      %sign3A_77 = arith.extui %sign3A_76 : i1 to i32
      %sign3A_78 = arith.subi %sign3A_74, %sign3A_77 : i32
      %sign3A_79 = arith.constant 0 : i32
      %sign3A_80 = arith.cmpi sgt, %jit3A, %sign3A_79 : i32
      %sign3A_81 = arith.extui %sign3A_80 : i1 to i32
      %sign3A_82 = arith.constant 0 : i32
      %sign3A_83 = arith.cmpi slt, %jit3A, %sign3A_82 : i32
      %sign3A_84 = arith.extui %sign3A_83 : i1 to i32
      %sign3A_85 = arith.subi %sign3A_81, %sign3A_84 : i32
      %ne3A = arith.cmpi ne, %sign3A_78, %sign3A_85 : i32
      %rem3A = arith.remsi %add3A_53, %jit3A : i32
      %ne3A_86 = arith.constant 0 : i32
      %ne3A_87 = arith.cmpi ne, %rem3A, %ne3A_86 : i32
      %and3A = arith.andi %ne3A, %ne3A_87 : i1
      %sub3A_88 = arith.constant 1 : i32
      %sub3A_89 = arith.subi %div3A, %sub3A_88 : i32
      %select_n3A = arith.select %and3A, %sub3A_89, %div3A : i32
      %add3A_90 = arith.addi %mul3A_2, %select_n3A : i32
      %mul3A_91 = arith.constant 200 : i32
      %mul3A_92 = arith.muli %add3A_90, %mul3A_91 : i32
      %add3A_93 = arith.constant 0 : i32
      %add3A_94 = arith.addi %mul3A_92, %add3A_93 : i32
      %dma_start3A_95 = arith.constant 0 : i32
      %dma_start3A_96 = arith.constant 0 : i32
      %dma_start3A_97 = tpu.memref_slice %arg6[%dma_start3A_95, %dma_start3A_96] : memref<104x128xf32, #tpu.memory_space<vmem>> -> memref<96x128xf32, #tpu.memory_space<vmem>>
      %dma_start3A_98 = arith.constant 0 : i32
      %dma_start3A_99 = tpu.memref_slice %arg4[%add3A_94, %dma_start3A_98] : memref<819200x128xf32, #tpu.memory_space<hbm>> -> memref<96x128xf32, #tpu.memory_space<hbm>>
      %dma_start3A_100 = arith.constant 0 : i32
      %dma_start3A_101 = tpu.memref_slice %arg4[%add3A_94, %dma_start3A_100] : memref<819200x128xf32, #tpu.memory_space<hbm>> -> memref<96x128xf32, #tpu.memory_space<hbm>>
      %dma_start3A_102 = arith.constant 0 : i32
      %dma_start3A_103 = arith.constant 0 : i32
      %dma_start3A_104 = tpu.memref_slice %arg6[%dma_start3A_102, %dma_start3A_103] : memref<104x128xf32, #tpu.memory_space<vmem>> -> memref<96x128xf32, #tpu.memory_space<vmem>>
      tpu.enqueue_dma source(%dma_start3A_104 : memref<96x128xf32, #tpu.memory_space<vmem>>) target(%dma_start3A_101 : memref<96x128xf32, #tpu.memory_space<hbm>>) target_semaphore(%arg14 : memref<!tpu.dma_semaphore, #tpu.memory_space<semaphore_mem>>)
      %add3A_105 = arith.constant 1 : i32
      %add3A_106 = arith.addi %add3A_51, %add3A_105 : i32
      %ge3A_107 = arith.constant 1 : i32
      %ge3A_108 = arith.cmpi sge, %add3A_106, %ge3A_107 : i32
      %convert_element_type3A_109 = arith.extui %ge3A_108 : i1 to i32
      %cond3A_110 = arith.constant 0 : i32
      %cond3A_111 = arith.cmpi ne, %convert_element_type3A_109, %cond3A_110 : i32
      scf.if %cond3A_111 {
        %dma_wait3A_300 = arith.constant 0 : i32
        %dma_wait3A_301 = arith.constant 0 : i32
        %dma_wait3A_302 = tpu.memref_slice %arg6[%dma_wait3A_300, %dma_wait3A_301] : memref<104x128xf32, #tpu.memory_space<vmem>> -> memref<96x128xf32, #tpu.memory_space<vmem>>
        %dma_wait3A_303 = arith.constant 0 : i32
        %dma_wait3A_304 = arith.constant 0 : i32
        %dma_wait3A_305 = tpu.memref_slice %arg4[%dma_wait3A_303, %dma_wait3A_304] : memref<819200x128xf32, #tpu.memory_space<hbm>> -> memref<96x128xf32, #tpu.memory_space<hbm>>
        %dma_wait3A_306 = arith.constant 0 : i32
        %dma_wait3A_307 = arith.constant 0 : i32
        %dma_wait3A_308 = tpu.memref_slice %arg4[%dma_wait3A_306, %dma_wait3A_307] : memref<819200x128xf32, #tpu.memory_space<hbm>> -> memref<96x128xf32, #tpu.memory_space<hbm>>
        %dma_wait3A_309 = arith.constant 0 : i32
        %dma_wait3A_310 = arith.constant 0 : i32
        %dma_wait3A_311 = tpu.memref_slice %arg6[%dma_wait3A_309, %dma_wait3A_310] : memref<104x128xf32, #tpu.memory_space<vmem>> -> memref<96x128xf32, #tpu.memory_space<vmem>>
        tpu.wait_dma2 semaphore(%arg14 : memref<!tpu.dma_semaphore, #tpu.memory_space<semaphore_mem>>) src(%dma_wait3A_311 : memref<96x128xf32, #tpu.memory_space<vmem>>) dst(%dma_wait3A_308 : memref<96x128xf32, #tpu.memory_space<hbm>>)
      } else {
      }
      %add3A_112 = arith.constant 4 : i32
      %add3A_113 = arith.addi %add3A_106, %add3A_112 : i32
      %sub3A_114 = arith.constant 1 : i32
      %sub3A_115 = arith.subi %add3A_113, %sub3A_114 : i32
      %lt3A_116 = arith.constant 256 : i32
      %lt3A_117 = arith.cmpi slt, %sub3A_115, %lt3A_116 : i32
      %convert_element_type3A_118 = arith.extui %lt3A_117 : i1 to i32
      %cond3A_119 = arith.constant 0 : i32
      %cond3A_120 = arith.cmpi ne, %convert_element_type3A_118, %cond3A_119 : i32
      scf.if %cond3A_120 {
        %add3A_300 = arith.constant 4 : i32
        %add3A_301 = arith.addi %add3A_106, %add3A_300 : i32
        %sub3A_302 = arith.constant 1 : i32
        %sub3A_303 = arith.subi %add3A_301, %sub3A_302 : i32
        %jit3A_304 = arith.constant 2 : i32
        %div3A_305 = arith.divsi %sub3A_303, %jit3A_304 : i32
        %sign3A_306 = arith.constant 0 : i32
        %sign3A_307 = arith.cmpi sgt, %sub3A_303, %sign3A_306 : i32
        %sign3A_308 = arith.extui %sign3A_307 : i1 to i32
        %sign3A_309 = arith.constant 0 : i32
        %sign3A_310 = arith.cmpi slt, %sub3A_303, %sign3A_309 : i32
        %sign3A_311 = arith.extui %sign3A_310 : i1 to i32
        %sign3A_312 = arith.subi %sign3A_308, %sign3A_311 : i32
        %sign3A_313 = arith.constant 0 : i32
        %sign3A_314 = arith.cmpi sgt, %jit3A_304, %sign3A_313 : i32
        %sign3A_315 = arith.extui %sign3A_314 : i1 to i32
        %sign3A_316 = arith.constant 0 : i32
        %sign3A_317 = arith.cmpi slt, %jit3A_304, %sign3A_316 : i32
        %sign3A_318 = arith.extui %sign3A_317 : i1 to i32
        %sign3A_319 = arith.subi %sign3A_315, %sign3A_318 : i32
        %ne3A_320 = arith.cmpi ne, %sign3A_312, %sign3A_319 : i32
        %rem3A_321 = arith.remsi %sub3A_303, %jit3A_304 : i32
        %ne3A_322 = arith.constant 0 : i32
        %ne3A_323 = arith.cmpi ne, %rem3A_321, %ne3A_322 : i32
        %and3A_324 = arith.andi %ne3A_320, %ne3A_323 : i1
        %sub3A_325 = arith.constant 1 : i32
        %sub3A_326 = arith.subi %div3A_305, %sub3A_325 : i32
        %select_n3A_327 = arith.select %and3A_324, %sub3A_326, %div3A_305 : i32
        %dma_start3A_328 = arith.constant 0 : i32
        %dma_start3A_329 = arith.constant 0 : i32
        %dma_start3A_330 = tpu.memref_slice %arg6[%dma_start3A_328, %dma_start3A_329] : memref<104x128xf32, #tpu.memory_space<vmem>> -> memref<96x128xf32, #tpu.memory_space<vmem>>
        %dma_start3A_331 = arith.constant 0 : i32
        %dma_start3A_332 = tpu.memref_slice %arg5[%select_n3A_327, %dma_start3A_331] : memref<128x200xi32, #tpu.memory_space<vmem>> -> memref<1x96xi32, #tpu.memory_space<vmem>>
        %dma_start3A_333 = tpu.memref_squeeze %dma_start3A_332 : memref<1x96xi32, #tpu.memory_space<vmem>> -> memref<96xi32, #tpu.memory_space<vmem>>
        %dma_start3A_334 = arith.constant 0 : i32
        %dma_start3A_335 = arith.constant 0 : i32
        %dma_start3A_336 = tpu.memref_slice %arg2[%dma_start3A_334, %dma_start3A_335] : memref<1000000x128xf32, #tpu.memory_space<hbm>> -> memref<1000000x128xf32, #tpu.memory_space<hbm>>
        tpu.enqueue_indirect_dma source(%dma_start3A_336 : memref<1000000x128xf32, #tpu.memory_space<hbm>>) target(%dma_start3A_330 : memref<96x128xf32, #tpu.memory_space<vmem>>) offsets(%dma_start3A_333 : memref<96xi32, #tpu.memory_space<vmem>>) semaphore(%arg10 : memref<!tpu.dma_semaphore, #tpu.memory_space<semaphore_mem>>)
      } else {
      }
      %dma_wait3A_121 = arith.constant 0 : i32
      %dma_wait3A_122 = arith.constant 0 : i32
      %dma_wait3A_123 = arith.constant 0 : i32
      %dma_wait3A_124 = tpu.memref_slice %arg7[%dma_wait3A_122, %dma_wait3A_123] : memref<104x128xf32, #tpu.memory_space<vmem>> -> memref<104x128xf32, #tpu.memory_space<vmem>>
      %dma_wait3A_125 = arith.constant 0 : i32
      %dma_wait3A_126 = tpu.memref_slice %arg5[%dma_wait3A_121, %dma_wait3A_125] : memref<128x200xi32, #tpu.memory_space<vmem>> -> memref<1x104xi32, #tpu.memory_space<vmem>>
      %dma_wait3A_127 = tpu.memref_squeeze %dma_wait3A_126 : memref<1x104xi32, #tpu.memory_space<vmem>> -> memref<104xi32, #tpu.memory_space<vmem>>
      %dma_wait3A_128 = arith.constant 0 : i32
      %dma_wait3A_129 = arith.constant 0 : i32
      %dma_wait3A_130 = tpu.memref_slice %arg2[%dma_wait3A_128, %dma_wait3A_129] : memref<1000000x128xf32, #tpu.memory_space<hbm>> -> memref<1000000x128xf32, #tpu.memory_space<hbm>>
      tpu.wait_indirect_dma semaphore(%arg11 : memref<!tpu.dma_semaphore, #tpu.memory_space<semaphore_mem>>) src(%dma_wait3A_130 : memref<1000000x128xf32, #tpu.memory_space<hbm>>) dst(%dma_wait3A_124 : memref<104x128xf32, #tpu.memory_space<vmem>>)
      %jit3A_131 = arith.constant 2 : i32
      %div3A_132 = arith.divsi %add3A_106, %jit3A_131 : i32
      %sign3A_133 = arith.constant 0 : i32
      %sign3A_134 = arith.cmpi sgt, %add3A_106, %sign3A_133 : i32
      %sign3A_135 = arith.extui %sign3A_134 : i1 to i32
      %sign3A_136 = arith.constant 0 : i32
      %sign3A_137 = arith.cmpi slt, %add3A_106, %sign3A_136 : i32
      %sign3A_138 = arith.extui %sign3A_137 : i1 to i32
      %sign3A_139 = arith.subi %sign3A_135, %sign3A_138 : i32
      %sign3A_140 = arith.constant 0 : i32
      %sign3A_141 = arith.cmpi sgt, %jit3A_131, %sign3A_140 : i32
      %sign3A_142 = arith.extui %sign3A_141 : i1 to i32
      %sign3A_143 = arith.constant 0 : i32
      %sign3A_144 = arith.cmpi slt, %jit3A_131, %sign3A_143 : i32
      %sign3A_145 = arith.extui %sign3A_144 : i1 to i32
      %sign3A_146 = arith.subi %sign3A_142, %sign3A_145 : i32
      %ne3A_147 = arith.cmpi ne, %sign3A_139, %sign3A_146 : i32
      %rem3A_148 = arith.remsi %add3A_106, %jit3A_131 : i32
      %ne3A_149 = arith.constant 0 : i32
      %ne3A_150 = arith.cmpi ne, %rem3A_148, %ne3A_149 : i32
      %and3A_151 = arith.andi %ne3A_147, %ne3A_150 : i1
      %sub3A_152 = arith.constant 1 : i32
      %sub3A_153 = arith.subi %div3A_132, %sub3A_152 : i32
      %select_n3A_154 = arith.select %and3A_151, %sub3A_153, %div3A_132 : i32
      %add3A_155 = arith.addi %mul3A_2, %select_n3A_154 : i32
      %mul3A_156 = arith.constant 200 : i32
      %mul3A_157 = arith.muli %add3A_155, %mul3A_156 : i32
      %add3A_158 = arith.constant 96 : i32
      %add3A_159 = arith.addi %mul3A_157, %add3A_158 : i32
      %dma_start3A_160 = arith.constant 0 : i32
      %dma_start3A_161 = arith.constant 0 : i32
      %dma_start3A_162 = tpu.memref_slice %arg7[%dma_start3A_160, %dma_start3A_161] : memref<104x128xf32, #tpu.memory_space<vmem>> -> memref<104x128xf32, #tpu.memory_space<vmem>>
      %dma_start3A_163 = arith.constant 0 : i32
      %dma_start3A_164 = tpu.memref_slice %arg4[%add3A_159, %dma_start3A_163] : memref<819200x128xf32, #tpu.memory_space<hbm>> -> memref<104x128xf32, #tpu.memory_space<hbm>>
      %dma_start3A_165 = arith.constant 0 : i32
      %dma_start3A_166 = tpu.memref_slice %arg4[%add3A_159, %dma_start3A_165] : memref<819200x128xf32, #tpu.memory_space<hbm>> -> memref<104x128xf32, #tpu.memory_space<hbm>>
      %dma_start3A_167 = arith.constant 0 : i32
      %dma_start3A_168 = arith.constant 0 : i32
      %dma_start3A_169 = tpu.memref_slice %arg7[%dma_start3A_167, %dma_start3A_168] : memref<104x128xf32, #tpu.memory_space<vmem>> -> memref<104x128xf32, #tpu.memory_space<vmem>>
      tpu.enqueue_dma source(%dma_start3A_169 : memref<104x128xf32, #tpu.memory_space<vmem>>) target(%dma_start3A_166 : memref<104x128xf32, #tpu.memory_space<hbm>>) target_semaphore(%arg15 : memref<!tpu.dma_semaphore, #tpu.memory_space<semaphore_mem>>)
      %add3A_170 = arith.constant 2 : i32
      %add3A_171 = arith.addi %add3A_51, %add3A_170 : i32
      %ge3A_172 = arith.constant 1 : i32
      %ge3A_173 = arith.cmpi sge, %add3A_171, %ge3A_172 : i32
      %convert_element_type3A_174 = arith.extui %ge3A_173 : i1 to i32
      %cond3A_175 = arith.constant 0 : i32
      %cond3A_176 = arith.cmpi ne, %convert_element_type3A_174, %cond3A_175 : i32
      scf.if %cond3A_176 {
        %dma_wait3A_300 = arith.constant 0 : i32
        %dma_wait3A_301 = arith.constant 0 : i32
        %dma_wait3A_302 = tpu.memref_slice %arg7[%dma_wait3A_300, %dma_wait3A_301] : memref<104x128xf32, #tpu.memory_space<vmem>> -> memref<104x128xf32, #tpu.memory_space<vmem>>
        %dma_wait3A_303 = arith.constant 0 : i32
        %dma_wait3A_304 = arith.constant 0 : i32
        %dma_wait3A_305 = tpu.memref_slice %arg4[%dma_wait3A_303, %dma_wait3A_304] : memref<819200x128xf32, #tpu.memory_space<hbm>> -> memref<104x128xf32, #tpu.memory_space<hbm>>
        %dma_wait3A_306 = arith.constant 0 : i32
        %dma_wait3A_307 = arith.constant 0 : i32
        %dma_wait3A_308 = tpu.memref_slice %arg4[%dma_wait3A_306, %dma_wait3A_307] : memref<819200x128xf32, #tpu.memory_space<hbm>> -> memref<104x128xf32, #tpu.memory_space<hbm>>
        %dma_wait3A_309 = arith.constant 0 : i32
        %dma_wait3A_310 = arith.constant 0 : i32
        %dma_wait3A_311 = tpu.memref_slice %arg7[%dma_wait3A_309, %dma_wait3A_310] : memref<104x128xf32, #tpu.memory_space<vmem>> -> memref<104x128xf32, #tpu.memory_space<vmem>>
        tpu.wait_dma2 semaphore(%arg15 : memref<!tpu.dma_semaphore, #tpu.memory_space<semaphore_mem>>) src(%dma_wait3A_311 : memref<104x128xf32, #tpu.memory_space<vmem>>) dst(%dma_wait3A_308 : memref<104x128xf32, #tpu.memory_space<hbm>>)
      } else {
      }
      %add3A_177 = arith.constant 4 : i32
      %add3A_178 = arith.addi %add3A_171, %add3A_177 : i32
      %sub3A_179 = arith.constant 1 : i32
      %sub3A_180 = arith.subi %add3A_178, %sub3A_179 : i32
      %lt3A_181 = arith.constant 256 : i32
      %lt3A_182 = arith.cmpi slt, %sub3A_180, %lt3A_181 : i32
      %convert_element_type3A_183 = arith.extui %lt3A_182 : i1 to i32
      %cond3A_184 = arith.constant 0 : i32
      %cond3A_185 = arith.cmpi ne, %convert_element_type3A_183, %cond3A_184 : i32
      scf.if %cond3A_185 {
        %add3A_300 = arith.constant 4 : i32
        %add3A_301 = arith.addi %add3A_171, %add3A_300 : i32
        %sub3A_302 = arith.constant 1 : i32
        %sub3A_303 = arith.subi %add3A_301, %sub3A_302 : i32
        %jit3A_304 = arith.constant 2 : i32
        %div3A_305 = arith.divsi %sub3A_303, %jit3A_304 : i32
        %sign3A_306 = arith.constant 0 : i32
        %sign3A_307 = arith.cmpi sgt, %sub3A_303, %sign3A_306 : i32
        %sign3A_308 = arith.extui %sign3A_307 : i1 to i32
        %sign3A_309 = arith.constant 0 : i32
        %sign3A_310 = arith.cmpi slt, %sub3A_303, %sign3A_309 : i32
        %sign3A_311 = arith.extui %sign3A_310 : i1 to i32
        %sign3A_312 = arith.subi %sign3A_308, %sign3A_311 : i32
        %sign3A_313 = arith.constant 0 : i32
        %sign3A_314 = arith.cmpi sgt, %jit3A_304, %sign3A_313 : i32
        %sign3A_315 = arith.extui %sign3A_314 : i1 to i32
        %sign3A_316 = arith.constant 0 : i32
        %sign3A_317 = arith.cmpi slt, %jit3A_304, %sign3A_316 : i32
        %sign3A_318 = arith.extui %sign3A_317 : i1 to i32
        %sign3A_319 = arith.subi %sign3A_315, %sign3A_318 : i32
        %ne3A_320 = arith.cmpi ne, %sign3A_312, %sign3A_319 : i32
        %rem3A_321 = arith.remsi %sub3A_303, %jit3A_304 : i32
        %ne3A_322 = arith.constant 0 : i32
        %ne3A_323 = arith.cmpi ne, %rem3A_321, %ne3A_322 : i32
        %and3A_324 = arith.andi %ne3A_320, %ne3A_323 : i1
        %sub3A_325 = arith.constant 1 : i32
        %sub3A_326 = arith.subi %div3A_305, %sub3A_325 : i32
        %select_n3A_327 = arith.select %and3A_324, %sub3A_326, %div3A_305 : i32
        %dma_start3A_328 = arith.constant 0 : i32
        %dma_start3A_329 = arith.constant 0 : i32
        %dma_start3A_330 = tpu.memref_slice %arg7[%dma_start3A_328, %dma_start3A_329] : memref<104x128xf32, #tpu.memory_space<vmem>> -> memref<104x128xf32, #tpu.memory_space<vmem>>
        %dma_start3A_331 = arith.constant 96 : i32
        %dma_start3A_332 = tpu.memref_slice %arg5[%select_n3A_327, %dma_start3A_331] : memref<128x200xi32, #tpu.memory_space<vmem>> -> memref<1x104xi32, #tpu.memory_space<vmem>>
        %dma_start3A_333 = tpu.memref_squeeze %dma_start3A_332 : memref<1x104xi32, #tpu.memory_space<vmem>> -> memref<104xi32, #tpu.memory_space<vmem>>
        %dma_start3A_334 = arith.constant 0 : i32
        %dma_start3A_335 = arith.constant 0 : i32
        %dma_start3A_336 = tpu.memref_slice %arg2[%dma_start3A_334, %dma_start3A_335] : memref<1000000x128xf32, #tpu.memory_space<hbm>> -> memref<1000000x128xf32, #tpu.memory_space<hbm>>
        tpu.enqueue_indirect_dma source(%dma_start3A_336 : memref<1000000x128xf32, #tpu.memory_space<hbm>>) target(%dma_start3A_330 : memref<104x128xf32, #tpu.memory_space<vmem>>) offsets(%dma_start3A_333 : memref<104xi32, #tpu.memory_space<vmem>>) semaphore(%arg11 : memref<!tpu.dma_semaphore, #tpu.memory_space<semaphore_mem>>)
      } else {
      }
      %dma_wait3A_186 = arith.constant 0 : i32
      %dma_wait3A_187 = arith.constant 0 : i32
      %dma_wait3A_188 = arith.constant 0 : i32
      %dma_wait3A_189 = tpu.memref_slice %arg8[%dma_wait3A_187, %dma_wait3A_188] : memref<104x128xf32, #tpu.memory_space<vmem>> -> memref<96x128xf32, #tpu.memory_space<vmem>>
      %dma_wait3A_190 = arith.constant 0 : i32
      %dma_wait3A_191 = tpu.memref_slice %arg5[%dma_wait3A_186, %dma_wait3A_190] : memref<128x200xi32, #tpu.memory_space<vmem>> -> memref<1x96xi32, #tpu.memory_space<vmem>>
      %dma_wait3A_192 = tpu.memref_squeeze %dma_wait3A_191 : memref<1x96xi32, #tpu.memory_space<vmem>> -> memref<96xi32, #tpu.memory_space<vmem>>
      %dma_wait3A_193 = arith.constant 0 : i32
      %dma_wait3A_194 = arith.constant 0 : i32
      %dma_wait3A_195 = tpu.memref_slice %arg2[%dma_wait3A_193, %dma_wait3A_194] : memref<1000000x128xf32, #tpu.memory_space<hbm>> -> memref<1000000x128xf32, #tpu.memory_space<hbm>>
      tpu.wait_indirect_dma semaphore(%arg12 : memref<!tpu.dma_semaphore, #tpu.memory_space<semaphore_mem>>) src(%dma_wait3A_195 : memref<1000000x128xf32, #tpu.memory_space<hbm>>) dst(%dma_wait3A_189 : memref<96x128xf32, #tpu.memory_space<vmem>>)
      %jit3A_196 = arith.constant 2 : i32
      %div3A_197 = arith.divsi %add3A_171, %jit3A_196 : i32
      %sign3A_198 = arith.constant 0 : i32
      %sign3A_199 = arith.cmpi sgt, %add3A_171, %sign3A_198 : i32
      %sign3A_200 = arith.extui %sign3A_199 : i1 to i32
      %sign3A_201 = arith.constant 0 : i32
      %sign3A_202 = arith.cmpi slt, %add3A_171, %sign3A_201 : i32
      %sign3A_203 = arith.extui %sign3A_202 : i1 to i32
      %sign3A_204 = arith.subi %sign3A_200, %sign3A_203 : i32
      %sign3A_205 = arith.constant 0 : i32
      %sign3A_206 = arith.cmpi sgt, %jit3A_196, %sign3A_205 : i32
      %sign3A_207 = arith.extui %sign3A_206 : i1 to i32
      %sign3A_208 = arith.constant 0 : i32
      %sign3A_209 = arith.cmpi slt, %jit3A_196, %sign3A_208 : i32
      %sign3A_210 = arith.extui %sign3A_209 : i1 to i32
      %sign3A_211 = arith.subi %sign3A_207, %sign3A_210 : i32
      %ne3A_212 = arith.cmpi ne, %sign3A_204, %sign3A_211 : i32
      %rem3A_213 = arith.remsi %add3A_171, %jit3A_196 : i32
      %ne3A_214 = arith.constant 0 : i32
      %ne3A_215 = arith.cmpi ne, %rem3A_213, %ne3A_214 : i32
      %and3A_216 = arith.andi %ne3A_212, %ne3A_215 : i1
      %sub3A_217 = arith.constant 1 : i32
      %sub3A_218 = arith.subi %div3A_197, %sub3A_217 : i32
      %select_n3A_219 = arith.select %and3A_216, %sub3A_218, %div3A_197 : i32
      %add3A_220 = arith.addi %mul3A_2, %select_n3A_219 : i32
      %mul3A_221 = arith.constant 200 : i32
      %mul3A_222 = arith.muli %add3A_220, %mul3A_221 : i32
      %add3A_223 = arith.constant 0 : i32
      %add3A_224 = arith.addi %mul3A_222, %add3A_223 : i32
      %dma_start3A_225 = arith.constant 0 : i32
      %dma_start3A_226 = arith.constant 0 : i32
      %dma_start3A_227 = tpu.memref_slice %arg8[%dma_start3A_225, %dma_start3A_226] : memref<104x128xf32, #tpu.memory_space<vmem>> -> memref<96x128xf32, #tpu.memory_space<vmem>>
      %dma_start3A_228 = arith.constant 0 : i32
      %dma_start3A_229 = tpu.memref_slice %arg4[%add3A_224, %dma_start3A_228] : memref<819200x128xf32, #tpu.memory_space<hbm>> -> memref<96x128xf32, #tpu.memory_space<hbm>>
      %dma_start3A_230 = arith.constant 0 : i32
      %dma_start3A_231 = tpu.memref_slice %arg4[%add3A_224, %dma_start3A_230] : memref<819200x128xf32, #tpu.memory_space<hbm>> -> memref<96x128xf32, #tpu.memory_space<hbm>>
      %dma_start3A_232 = arith.constant 0 : i32
      %dma_start3A_233 = arith.constant 0 : i32
      %dma_start3A_234 = tpu.memref_slice %arg8[%dma_start3A_232, %dma_start3A_233] : memref<104x128xf32, #tpu.memory_space<vmem>> -> memref<96x128xf32, #tpu.memory_space<vmem>>
      tpu.enqueue_dma source(%dma_start3A_234 : memref<96x128xf32, #tpu.memory_space<vmem>>) target(%dma_start3A_231 : memref<96x128xf32, #tpu.memory_space<hbm>>) target_semaphore(%arg16 : memref<!tpu.dma_semaphore, #tpu.memory_space<semaphore_mem>>)
      %add3A_235 = arith.constant 3 : i32
      %add3A_236 = arith.addi %add3A_51, %add3A_235 : i32
      %ge3A_237 = arith.constant 1 : i32
      %ge3A_238 = arith.cmpi sge, %add3A_236, %ge3A_237 : i32
      %convert_element_type3A_239 = arith.extui %ge3A_238 : i1 to i32
      %cond3A_240 = arith.constant 0 : i32
      %cond3A_241 = arith.cmpi ne, %convert_element_type3A_239, %cond3A_240 : i32
      scf.if %cond3A_241 {
        %dma_wait3A_300 = arith.constant 0 : i32
        %dma_wait3A_301 = arith.constant 0 : i32
        %dma_wait3A_302 = tpu.memref_slice %arg8[%dma_wait3A_300, %dma_wait3A_301] : memref<104x128xf32, #tpu.memory_space<vmem>> -> memref<96x128xf32, #tpu.memory_space<vmem>>
        %dma_wait3A_303 = arith.constant 0 : i32
        %dma_wait3A_304 = arith.constant 0 : i32
        %dma_wait3A_305 = tpu.memref_slice %arg4[%dma_wait3A_303, %dma_wait3A_304] : memref<819200x128xf32, #tpu.memory_space<hbm>> -> memref<96x128xf32, #tpu.memory_space<hbm>>
        %dma_wait3A_306 = arith.constant 0 : i32
        %dma_wait3A_307 = arith.constant 0 : i32
        %dma_wait3A_308 = tpu.memref_slice %arg4[%dma_wait3A_306, %dma_wait3A_307] : memref<819200x128xf32, #tpu.memory_space<hbm>> -> memref<96x128xf32, #tpu.memory_space<hbm>>
        %dma_wait3A_309 = arith.constant 0 : i32
        %dma_wait3A_310 = arith.constant 0 : i32
        %dma_wait3A_311 = tpu.memref_slice %arg8[%dma_wait3A_309, %dma_wait3A_310] : memref<104x128xf32, #tpu.memory_space<vmem>> -> memref<96x128xf32, #tpu.memory_space<vmem>>
        tpu.wait_dma2 semaphore(%arg16 : memref<!tpu.dma_semaphore, #tpu.memory_space<semaphore_mem>>) src(%dma_wait3A_311 : memref<96x128xf32, #tpu.memory_space<vmem>>) dst(%dma_wait3A_308 : memref<96x128xf32, #tpu.memory_space<hbm>>)
      } else {
      }
      %add3A_242 = arith.constant 4 : i32
      %add3A_243 = arith.addi %add3A_236, %add3A_242 : i32
      %sub3A_244 = arith.constant 1 : i32
      %sub3A_245 = arith.subi %add3A_243, %sub3A_244 : i32
      %lt3A_246 = arith.constant 256 : i32
      %lt3A_247 = arith.cmpi slt, %sub3A_245, %lt3A_246 : i32
      %convert_element_type3A_248 = arith.extui %lt3A_247 : i1 to i32
      %cond3A_249 = arith.constant 0 : i32
      %cond3A_250 = arith.cmpi ne, %convert_element_type3A_248, %cond3A_249 : i32
      scf.if %cond3A_250 {
        %add3A_300 = arith.constant 4 : i32
        %add3A_301 = arith.addi %add3A_236, %add3A_300 : i32
        %sub3A_302 = arith.constant 1 : i32
        %sub3A_303 = arith.subi %add3A_301, %sub3A_302 : i32
        %jit3A_304 = arith.constant 2 : i32
        %div3A_305 = arith.divsi %sub3A_303, %jit3A_304 : i32
        %sign3A_306 = arith.constant 0 : i32
        %sign3A_307 = arith.cmpi sgt, %sub3A_303, %sign3A_306 : i32
        %sign3A_308 = arith.extui %sign3A_307 : i1 to i32
        %sign3A_309 = arith.constant 0 : i32
        %sign3A_310 = arith.cmpi slt, %sub3A_303, %sign3A_309 : i32
        %sign3A_311 = arith.extui %sign3A_310 : i1 to i32
        %sign3A_312 = arith.subi %sign3A_308, %sign3A_311 : i32
        %sign3A_313 = arith.constant 0 : i32
        %sign3A_314 = arith.cmpi sgt, %jit3A_304, %sign3A_313 : i32
        %sign3A_315 = arith.extui %sign3A_314 : i1 to i32
        %sign3A_316 = arith.constant 0 : i32
        %sign3A_317 = arith.cmpi slt, %jit3A_304, %sign3A_316 : i32
        %sign3A_318 = arith.extui %sign3A_317 : i1 to i32
        %sign3A_319 = arith.subi %sign3A_315, %sign3A_318 : i32
        %ne3A_320 = arith.cmpi ne, %sign3A_312, %sign3A_319 : i32
        %rem3A_321 = arith.remsi %sub3A_303, %jit3A_304 : i32
        %ne3A_322 = arith.constant 0 : i32
        %ne3A_323 = arith.cmpi ne, %rem3A_321, %ne3A_322 : i32
        %and3A_324 = arith.andi %ne3A_320, %ne3A_323 : i1
        %sub3A_325 = arith.constant 1 : i32
        %sub3A_326 = arith.subi %div3A_305, %sub3A_325 : i32
        %select_n3A_327 = arith.select %and3A_324, %sub3A_326, %div3A_305 : i32
        %dma_start3A_328 = arith.constant 0 : i32
        %dma_start3A_329 = arith.constant 0 : i32
        %dma_start3A_330 = tpu.memref_slice %arg8[%dma_start3A_328, %dma_start3A_329] : memref<104x128xf32, #tpu.memory_space<vmem>> -> memref<96x128xf32, #tpu.memory_space<vmem>>
        %dma_start3A_331 = arith.constant 0 : i32
        %dma_start3A_332 = tpu.memref_slice %arg5[%select_n3A_327, %dma_start3A_331] : memref<128x200xi32, #tpu.memory_space<vmem>> -> memref<1x96xi32, #tpu.memory_space<vmem>>
        %dma_start3A_333 = tpu.memref_squeeze %dma_start3A_332 : memref<1x96xi32, #tpu.memory_space<vmem>> -> memref<96xi32, #tpu.memory_space<vmem>>
        %dma_start3A_334 = arith.constant 0 : i32
        %dma_start3A_335 = arith.constant 0 : i32
        %dma_start3A_336 = tpu.memref_slice %arg2[%dma_start3A_334, %dma_start3A_335] : memref<1000000x128xf32, #tpu.memory_space<hbm>> -> memref<1000000x128xf32, #tpu.memory_space<hbm>>
        tpu.enqueue_indirect_dma source(%dma_start3A_336 : memref<1000000x128xf32, #tpu.memory_space<hbm>>) target(%dma_start3A_330 : memref<96x128xf32, #tpu.memory_space<vmem>>) offsets(%dma_start3A_333 : memref<96xi32, #tpu.memory_space<vmem>>) semaphore(%arg12 : memref<!tpu.dma_semaphore, #tpu.memory_space<semaphore_mem>>)
      } else {
      }
      %dma_wait3A_251 = arith.constant 0 : i32
      %dma_wait3A_252 = arith.constant 0 : i32
      %dma_wait3A_253 = arith.constant 0 : i32
      %dma_wait3A_254 = tpu.memref_slice %arg9[%dma_wait3A_252, %dma_wait3A_253] : memref<104x128xf32, #tpu.memory_space<vmem>> -> memref<104x128xf32, #tpu.memory_space<vmem>>
      %dma_wait3A_255 = arith.constant 0 : i32
      %dma_wait3A_256 = tpu.memref_slice %arg5[%dma_wait3A_251, %dma_wait3A_255] : memref<128x200xi32, #tpu.memory_space<vmem>> -> memref<1x104xi32, #tpu.memory_space<vmem>>
      %dma_wait3A_257 = tpu.memref_squeeze %dma_wait3A_256 : memref<1x104xi32, #tpu.memory_space<vmem>> -> memref<104xi32, #tpu.memory_space<vmem>>
      %dma_wait3A_258 = arith.constant 0 : i32
      %dma_wait3A_259 = arith.constant 0 : i32
      %dma_wait3A_260 = tpu.memref_slice %arg2[%dma_wait3A_258, %dma_wait3A_259] : memref<1000000x128xf32, #tpu.memory_space<hbm>> -> memref<1000000x128xf32, #tpu.memory_space<hbm>>
      tpu.wait_indirect_dma semaphore(%arg13 : memref<!tpu.dma_semaphore, #tpu.memory_space<semaphore_mem>>) src(%dma_wait3A_260 : memref<1000000x128xf32, #tpu.memory_space<hbm>>) dst(%dma_wait3A_254 : memref<104x128xf32, #tpu.memory_space<vmem>>)
      %jit3A_261 = arith.constant 2 : i32
      %div3A_262 = arith.divsi %add3A_236, %jit3A_261 : i32
      %sign3A_263 = arith.constant 0 : i32
      %sign3A_264 = arith.cmpi sgt, %add3A_236, %sign3A_263 : i32
      %sign3A_265 = arith.extui %sign3A_264 : i1 to i32
      %sign3A_266 = arith.constant 0 : i32
      %sign3A_267 = arith.cmpi slt, %add3A_236, %sign3A_266 : i32
      %sign3A_268 = arith.extui %sign3A_267 : i1 to i32
      %sign3A_269 = arith.subi %sign3A_265, %sign3A_268 : i32
      %sign3A_270 = arith.constant 0 : i32
      %sign3A_271 = arith.cmpi sgt, %jit3A_261, %sign3A_270 : i32
      %sign3A_272 = arith.extui %sign3A_271 : i1 to i32
      %sign3A_273 = arith.constant 0 : i32
      %sign3A_274 = arith.cmpi slt, %jit3A_261, %sign3A_273 : i32
      %sign3A_275 = arith.extui %sign3A_274 : i1 to i32
      %sign3A_276 = arith.subi %sign3A_272, %sign3A_275 : i32
      %ne3A_277 = arith.cmpi ne, %sign3A_269, %sign3A_276 : i32
      %rem3A_278 = arith.remsi %add3A_236, %jit3A_261 : i32
      %ne3A_279 = arith.constant 0 : i32
      %ne3A_280 = arith.cmpi ne, %rem3A_278, %ne3A_279 : i32
      %and3A_281 = arith.andi %ne3A_277, %ne3A_280 : i1
      %sub3A_282 = arith.constant 1 : i32
      %sub3A_283 = arith.subi %div3A_262, %sub3A_282 : i32
      %select_n3A_284 = arith.select %and3A_281, %sub3A_283, %div3A_262 : i32
      %add3A_285 = arith.addi %mul3A_2, %select_n3A_284 : i32
      %mul3A_286 = arith.constant 200 : i32
      %mul3A_287 = arith.muli %add3A_285, %mul3A_286 : i32
      %add3A_288 = arith.constant 96 : i32
      %add3A_289 = arith.addi %mul3A_287, %add3A_288 : i32
      %dma_start3A_290 = arith.constant 0 : i32
      %dma_start3A_291 = arith.constant 0 : i32
      %dma_start3A_292 = tpu.memref_slice %arg9[%dma_start3A_290, %dma_start3A_291] : memref<104x128xf32, #tpu.memory_space<vmem>> -> memref<104x128xf32, #tpu.memory_space<vmem>>
      %dma_start3A_293 = arith.constant 0 : i32
      %dma_start3A_294 = tpu.memref_slice %arg4[%add3A_289, %dma_start3A_293] : memref<819200x128xf32, #tpu.memory_space<hbm>> -> memref<104x128xf32, #tpu.memory_space<hbm>>
      %dma_start3A_295 = arith.constant 0 : i32
      %dma_start3A_296 = tpu.memref_slice %arg4[%add3A_289, %dma_start3A_295] : memref<819200x128xf32, #tpu.memory_space<hbm>> -> memref<104x128xf32, #tpu.memory_space<hbm>>
      %dma_start3A_297 = arith.constant 0 : i32
      %dma_start3A_298 = arith.constant 0 : i32
      %dma_start3A_299 = tpu.memref_slice %arg9[%dma_start3A_297, %dma_start3A_298] : memref<104x128xf32, #tpu.memory_space<vmem>> -> memref<104x128xf32, #tpu.memory_space<vmem>>
      tpu.enqueue_dma source(%dma_start3A_299 : memref<104x128xf32, #tpu.memory_space<vmem>>) target(%dma_start3A_296 : memref<104x128xf32, #tpu.memory_space<hbm>>) target_semaphore(%arg17 : memref<!tpu.dma_semaphore, #tpu.memory_space<semaphore_mem>>)
    }
    %scan3A_35 = arith.constant 64 : i32
    %dma_wait3A = arith.constant 0 : i32
    %dma_wait3A_36 = arith.constant 0 : i32
    %dma_wait3A_37 = tpu.memref_slice %arg9[%dma_wait3A, %dma_wait3A_36] : memref<104x128xf32, #tpu.memory_space<vmem>> -> memref<104x128xf32, #tpu.memory_space<vmem>>
    %dma_wait3A_38 = arith.constant 0 : i32
    %dma_wait3A_39 = arith.constant 0 : i32
    %dma_wait3A_40 = tpu.memref_slice %arg4[%dma_wait3A_38, %dma_wait3A_39] : memref<819200x128xf32, #tpu.memory_space<hbm>> -> memref<104x128xf32, #tpu.memory_space<hbm>>
    %dma_wait3A_41 = arith.constant 0 : i32
    %dma_wait3A_42 = arith.constant 0 : i32
    %dma_wait3A_43 = tpu.memref_slice %arg4[%dma_wait3A_41, %dma_wait3A_42] : memref<819200x128xf32, #tpu.memory_space<hbm>> -> memref<104x128xf32, #tpu.memory_space<hbm>>
    %dma_wait3A_44 = arith.constant 0 : i32
    %dma_wait3A_45 = arith.constant 0 : i32
    %dma_wait3A_46 = tpu.memref_slice %arg9[%dma_wait3A_44, %dma_wait3A_45] : memref<104x128xf32, #tpu.memory_space<vmem>> -> memref<104x128xf32, #tpu.memory_space<vmem>>
    tpu.wait_dma2 semaphore(%arg17 : memref<!tpu.dma_semaphore, #tpu.memory_space<semaphore_mem>>) src(%dma_wait3A_46 : memref<104x128xf32, #tpu.memory_space<vmem>>) dst(%dma_wait3A_43 : memref<104x128xf32, #tpu.memory_space<hbm>>)
    return
  }
}

</mosaic_0001>

<sc_bundles>
// kernel: kernel.3.cloned.1.call-start
scs
__scs_entry_jumppad:
0x0: {  	(pc) =	sbr.rel $0x88, $3  }
0x1: {  	(tag) =	ssettag $0x0;
	lr =	simm.s32 $0x1  }
0x2: {  	[smem:$0x3F9F] =	sst lr;
	_ =	strace $0xD0000000  }
0x3: {  	_ = 	snop  }
0x4: {  	_ = 	snop  }
0x5: {  	_ = 	snop  }
0x6: {  	_ = 	snop  }
0x7: {  	_ = 	snop  }
__scs_overlays_trampoline_lowered:
0x8: {  	[smem:$0x3FAE] =	sst s0  }
0x9: {  	[smem:$0x3FAF] =	sst s1  }
0xa: {  	[smem:$0x3FB0] =	sst s2  }
0xb: {  	[smem:$0x3FB1] =	sst s3  }
0xc: {  	[smem:$0x3FB2] =	sst s4  }
0xd: {  	[smem:$0x3FB3] =	sst s5  }
0xe: {  	[smem:$0x3FB4] =	sst s6  }
0xf: {  	[smem:$0x3FB5] =	sst s7  }
0x10: {  	[smem:$0x3FB6] =	sst s8  }
0x11: {  	[smem:$0x3FB7] =	sst s9;
	s0 =	simm.s32 @!p0 $0x0  }
0x12: {  	s1 =	sld [smem:$0x3F9D];
	s0 =	simm.s32 @p0 $0x1  }
0x13: {  	[smem:$0x3FB8] =	sst s0;
	s0 =	simm.s32 @!p1 $0x0  }
0x14: {  	s2 =	sld [smem:$0x3F9C];
	s0 =	simm.s32 @p1 $0x1  }
0x15: {  	[smem:$0x3FB9] =	sst s0;
	s0 =	simm.s32 @!p2 $0x0  }
0x16: {  	s3 =	sld [smem:$0x3FDB];
	s0 =	simm.s32 @p2 $0x1  }
0x17: {  	s4 =	simm.s32 $0x1BF5;
	[smem:$0x3FBB] =	sst s0  }
0x18: {  	s0 =	sld [smem:$0x3F9E];
	_ =	swait.ge [sflag:s4], $0x0  }
0x19: {  	s7 =	sld [smem:$0x3F9F]  }
0x1a: {  	s8 =	sadd.s32 $0xFFFFE003, lr  }
0x1b: {  	s9 =	sadd.s32 $0xFFFFFEF7, lr;
	s5 =	simm.s32 $0xFFFFFFFF;
	p2 =	slt.u32 s8, $0xFFFFF086  }
0x1c: {  	p1 =	slt.u32 s9, $0xF7A;
	s5 =	simm.s32 @!p2 $0x0  }
0x1d: {  	s5 =	simm.s32 @p1 $0x1;
	p0 =	seq.s32 s7, s2  }
0x1e: {  	s7 =	smul.u32 @!p0 $0xF7A, s2;
	p2 =	seq.s32 @!p0 s5, $0x0  }
0x1f: {  	s9 =	smul.u32 $0xF7A, s1;
	s8 =	simm.s32 @!p0 $0x1BF5;
	p2 =	por !p2, p0  }
0x20: {  	[sflag:s8] =	ssyncset.s32 @!p0 $0xFFFFF086;
	s6 =	sadd.s32 @!p0 s3, s7;
	s7 =	simm.s32 @!p0 $0x108  }
0x21: {  	s3 =	sadd.s32 s3, s9;
	s6 =	sadd.s32 @!p0 $0x88, s6;
	s7 =	simm.s32 @p2 $0x1082  }
0x22: {  	[simem:s7], [sflag:s8] =	dma.local @!p0 [hbm:s6], $0xF7A  }
0x23: {  	s9 =	sor.u32 $0xD0000000, s2;
	s6 =	simm.s32 $0x108;
	_ =	swait.ge @!p0 [sflag:s8], $0x0  }
0x24: {  	s3 =	sadd.s32 $0x88, s3;
	s6 =	simm.s32 @!p1 $0x1082;
	[sflag:s4] =	ssyncset.s32 $0xFFFFF086  }
0x25: {  	[simem:s6], [sflag:s4] =	dma.local [hbm:s3], $0xF7A  }
0x26: {  	[smem:$0x3F9F] =	sst s1;
	(tag) =	ssettag s2;
	_ =	strace s9  }
0x27: {  	s1 =	sld [smem:$0x3FAF]  }
0x28: {  	s2 =	sld [smem:$0x3FB0]  }
0x29: {  	s4 =	sld [smem:$0x3FB2]  }
0x2a: {  	p0 =	seq.s32 s5, $0x0;
	s5 =	sld [smem:$0x3FB3]  }
0x2b: {  	s6 =	sld [smem:$0x3FB4]  }
0x2c: {  	s7 =	sld [smem:$0x3FB5]  }
0x2d: {  	s3 =	simm.s32 $0x108;
	s8 =	sld [smem:$0x3FB6]  }
0x2e: {  	s3 =	simm.s32 @!p0 $0x1082;
	s9 =	sld [smem:$0x3FB7]  }
0x2f: {  	lr =	sadd.s32 s0, s3;
	s0 =	sld [smem:$0x3FAE]  }
0x30: {  	s3 =	sld [smem:$0x3FB1]  }
0x31: {  	[smem:$0x3FBA] =	sst s10  }
0x32: {  	s10 =	sld [smem:$0x3FB8];
	_ =	sdelay $0x3  }
0x33: {  	p0 =	seq.s32 s10, $0x1;
	s10 =	sld [smem:$0x3FBA];
	_ =	sdelay $0x3  }
0x34: {  	[smem:$0x3FBA] =	sst s10  }
0x35: {  	s10 =	sld [smem:$0x3FB9];
	_ =	sdelay $0x3  }
0x36: {  	p1 =	seq.s32 s10, $0x1;
	s10 =	sld [smem:$0x3FBA];
	_ =	sdelay $0x3  }
0x37: {  	[smem:$0x3FBA] =	sst s10  }
0x38: {  	s10 =	sld [smem:$0x3FBB]  }
0x39: {  	_ = 	snop;
	(pc) =	sbr.ind lr, $3  }
0x3a: {  	_ = 	snop  }
0x3b: {  	_ = 	snop  }
0x3c: {  	p2 =	seq.s32 s10, $0x1;
	s10 =	sld [smem:$0x3FBA]  }
0x3d: {  	_ =	shalt  }
0x3e: {  	_ =	shalt  }
0x3f: {  	_ =	shalt  }
0x40: {  	_ =	shalt  }
0x41: {  	_ =	shalt  }
0x42: {  	_ =	shalt  }
0x43: {  	_ =	shalt  }
0x44: {  	_ =	shalt  }
0x45: {  	_ =	shalt  }
0x46: {  	_ =	shalt  }
0x47: {  	_ =	shalt  }
0x48: {  	_ =	shalt  }
0x49: {  	_ =	shalt  }
0x4a: {  	_ =	shalt  }
0x4b: {  	_ =	shalt  }
0x4c: {  	_ =	shalt  }
0x4d: {  	_ =	shalt  }
0x4e: {  	_ =	shalt  }
0x4f: {  	_ =	shalt  }
0x50: {  	_ =	shalt  }
0x51: {  	_ =	shalt  }
0x52: {  	_ =	shalt  }
0x53: {  	_ =	shalt  }
0x54: {  	_ =	shalt  }
0x55: {  	_ =	shalt  }
0x56: {  	_ =	shalt  }
0x57: {  	_ =	shalt  }
0x58: {  	_ =	shalt  }
0x59: {  	_ =	shalt  }
0x5a: {  	_ =	shalt  }
0x5b: {  	_ =	shalt  }
0x5c: {  	_ =	shalt  }
0x5d: {  	_ =	shalt  }
0x5e: {  	_ =	shalt  }
0x5f: {  	_ =	shalt  }
0x60: {  	_ =	shalt  }
0x61: {  	_ =	shalt  }
0x62: {  	_ =	shalt  }
0x63: {  	_ =	shalt  }
0x64: {  	_ =	shalt  }
0x65: {  	_ =	shalt  }
0x66: {  	_ =	shalt  }
0x67: {  	_ =	shalt  }
0x68: {  	_ =	shalt  }
0x69: {  	_ =	shalt  }
0x6a: {  	_ =	shalt  }
0x6b: {  	_ =	shalt  }
0x6c: {  	_ =	shalt  }
0x6d: {  	_ =	shalt  }
0x6e: {  	_ =	shalt  }
0x6f: {  	_ =	shalt  }
0x70: {  	_ =	shalt  }
0x71: {  	_ =	shalt  }
0x72: {  	_ =	shalt  }
0x73: {  	_ =	shalt  }
0x74: {  	_ =	shalt  }
0x75: {  	_ =	shalt  }
0x76: {  	_ =	shalt  }
0x77: {  	_ =	shalt  }
0x78: {  	_ =	shalt  }
0x79: {  	_ =	shalt  }
0x7a: {  	_ =	shalt  }
0x7b: {  	_ =	shalt  }
0x7c: {  	_ =	shalt  }
0x7d: {  	_ =	shalt  }
0x7e: {  	_ =	shalt  }
0x7f: {  	_ =	shalt  }
0x80: {  	_ =	shalt  }
0x81: {  	_ =	shalt  }
0x82: {  	_ =	shalt  }
0x83: {  	_ =	shalt  }
0x84: {  	_ =	shalt  }
0x85: {  	_ =	shalt  }
0x86: {  	_ =	shalt  }
0x87: {  	_ =	shalt  }
.Lfunc_end0:
.L_simem_size_0:
called_computation.1_lowered:
.L_overlay_start_0:
0x88: {  	s2 =	sld [smem:$0x3FD9]  }
0x89: {  	s3 =	sld [smem:$0x3FFE];
	_ =	sdelay $0x1  }
0x8a: {  	s1 =	srdreg.scid  }
0x8b: {  	s0 =	sand.u32 $0x1, s1  }
0x8c: {  	s17 =	sshll.u32 s0, $0xA;
	s2 =	sadd.s32 s3, s2  }
0x8d: {  	s2 =	sadd.s32 s2, s17  }
0x8e: {  	[smem:$0x3FC6] =	sst s2  }
0x8f: {  	_ = 	snop  }
0x90: {  	s2 =	sld [smem:$0x3FD0];
	(tm) =	ssettm $0x1  }
0x91: {  	s18 =	sld [smem:$0x3FFB];
	_ =	sdelay $0x3  }
0x92: {  	_ =	strace s18  }
0x93: {  	s3 =	sld [smem:$0x3FFC];
	_ =	sdelay $0x3  }
0x94: {  	_ =	strace s3  }
0x95: {  	s3 =	sld [smem:$0x3FFD];
	_ =	sdelay $0x3  }
0x96: {  	_ =	strace s3  }
0x97: {  	_ =	strace $0x8FFFFFFF  }
0x98: {  	s19 =	sld [smem:$0x3FDB];
	_ =	sdelay $0x1  }
0x99: {  	s4 =	simm.s32 $_scs_section_size  }
0x9a: {  	s5 =	simm.s32 $_size__tile_overlayer_lowered;
	s6 =	simm.s32 $_tile_overlayer_lowered  }
0x9b: {  	s22 =	simm.s32 $0x1BFF;
	s21 =	sshll.u32 s6, $0x1;
	s3 =	sadd.s32 s4, s19  }
0x9c: {  	s7 =	simm.s32 $0x0;
	s20 =	sshll.u32 s5, $0x1;
	s5 =	sadd.s32 s21, s3  }
0x9d: {  	[timem:s7], [sflag:s22] =	dma.local [hbm:s5], s20  }
0x9e: {  	_ =	swait.ge [sflag:s22], s20  }
0x9f: {  	s4 =	ssub.s32 $0x0, s20;
	[sflag:s22] =	ssyncset.done $0x0  }
0xa0: {  	[sflag:s22] =	ssyncadd.s32 s4;
	_ =	sdelay $0x1  }
0xa1: {  	s23 =	simm.s32 $0x1B8B  }
0xa2: {  	_ =	swait.ge [sflag:s23], $0x1  }
0xa3: {  	[sflag:s23] =	ssyncset.done $0x0  }
0xa4: {  	s25 =	simm.s32 $0x1B8E;
	s24 =	sld [smem:$0x3FFE];
	[sflag:s23] =	ssyncadd.s32 $0xFFFFFFFF  }
0xa5: {  	s26 =	simm.s32 $execute0_lowered;
	[smem:$0x3FD2] =	sst s25  }
0xa6: {  	s5 =	sshll.u32 s26, $0x1;
	_ =	strace $0x80000046;
	[dreg:$0x1] =	wrdreg $0xFFFFFFFF  }
0xa7: {  	s28 =	simm.s32 $_size_execute0_lowered;
	s3 =	sadd.s32 s3, s5;
	[dreg:$0x0] =	wrdreg $0x0  }
0xa8: {  	s5 =	sshll.u32 s28, $0x1;
	[dreg:$0x2] =	wrdreg s3  }
0xa9: {  	[dreg:$0x3] =	wrdreg s5  }
0xaa: {  	[dreg:$0x4] =	wrdreg $0xC0  }
0xab: {  	_ =	task [dreg:s7], $0x5FFFF  }
0xac: {  	[dreg:$0x1] =	wrdreg $0xFFFFFFFF  }
0xad: {  	[dreg:$0x0] =	wrdreg $0x60  }
0xae: {  	[dreg:$0x2] =	wrdreg s24  }
0xaf: {  	[dreg:$0x3] =	wrdreg s2  }
0xb0: {  	[dreg:$0x4] =	wrdreg $0x9  }
0xb1: {  	_ =	task.clear_ibuf [dreg:s7], $0x5FFFF;
	_ =	strace $0x90000046  }
0xb2: {  	s29 =	simm.s32 $0x9;
	_ =	strace $0x80000048  }
0xb3: {  	_ =	swait.ge [sflag:s29], $0x1  }
0xb4: {  	[sflag:s29] =	ssyncadd.s32 $0xFFFFFFFF  }
0xb5: {  	_ =	strace $0x90000048  }
0xb6: {  	_ =	sfence  }
0xb7: {  	s30 =	sld [smem:$0x0];
	_ =	sdelay $0x2  }
0xb8: {  	s31 =	sshll.u32 s1, $0xD;
	s1 =	sshrl.u32 s1, $0x2  }
0xb9: {  	s3 =	sand.u32 $0x4000, s31;
	s1 =	sadd.s32 s1, s30  }
0xba: {  	s0 =	sor.u32 s3, s0;
	s1 =	sshll.u32 s1, $0x11  }
0xbb: {  	s0 =	sor.u32 s1, s0  }
0xbc: {  	s0 =	sadd.s32 $0x8F2B, s0  }
0xbd: {  	[sflag:s0] =	ssyncadd.remote.s32 $0x1  }
0xbe: {  	_ =	sfence.sel $0xFFFF  }
0xbf: {  	[dreg:$0x0] =	wrdreg $0xFFFFFFFF;
	(pc) =	sbr.abs _section_cstart, $3  }
0xc0: {  	[dreg:$0x1] =	wrdreg $0xFFFFFFFF  }
0xc1: {  	_ =	task.clear_ibuf [dreg:s7], $0x2FFFF;
	_ =	strace $0x9FFFFFFF  }
0xc2: {  	(tm) =	ssettm $0x7FFFFFFF  }
0xc3: {  	_ =	shalt  }
tec
execute0_lowered:
.L_overlay_start_1:
0x0: {  	(tag) =	ssettag $0x1  }
0x1: {  	s1 =	srdreg.scid;
	s4 =	rddreg [dreg:$0x0]  }
0x2: {  	s0 =	stileid.u32;
	s5 =	rddreg [dreg:$0x1]  }
0x3: {  	s12 =	simm.s32 $0x68;
	s13 =	simm.s32 $0x9800;
	s15 =	simm.s32 $0xCC00  }
0x4: {  	s16 =	simm.s32 $0x10000;
	s17 =	simm.s32 $0x1;
	s18 =	simm.s32 $0x5  }
0x5: {  	s19 =	simm.s32 $0x2;
	s20 =	simm.s32 $0x6;
	s21 =	simm.s32 $0x3  }
0x6: {  	s22 =	simm.s32 $0x7;
	s23 =	simm.s32 $0x4;
	s8 =	smul.u32 $0x640000, s0  }
0x7: {  	s1 =	sand.u32 $0x1, s1;
	s2 =	sshll.u32 s0, $0x8;
	s26 =	smul.u32 $0xC8000, s0  }
0x8: {  	s11 =	sadd.s32 $0xA00, s4;
	s3 =	sshll.u32 s1, $0x7;
	s10 =	smul.u32 $0x320000, s1  }
0x9: {  	s7 =	ssub.s32 $0x2, s1;
	s1 =	smul.u32 $0x64000, s1;
	s3 =	sor.u32 s3, s2  }
0xa: {  	s2 =	simm.s32 $0x0;
	s9 =	sshrl.u32 s7, $0x1;
	s6 =	smul.u32 $0x19, s3  }
0xb: {  	[smem:$0x7FF] =	sst s2;
	s3 =	sadd.s32 $0xF42E00, s4;
	s7 =	ssub.s32 s7, s9  }
0xc: {  	s25 =	sadd.s32 s10, s8;
	s8 =	sadd.s32 s26, s11;
	s10 =	simm.s32 $0x60  }
0xd: {  	_ =	strace $0x80000047;
	s28 =	smax.u32 s7, $0x1;
	s29 =	sor.u32 $0x3000, s25  }
0xe: {  	s30 =	sor.u32 $0x9400, s25;
	s25 =	simm.s32 $0x0;
	s24 =	sadd.s32 s5, s6  }
0xf: {  	[dreg:$0x4] =	wrdreg s28;
	s7 =	sshrl.u32 s29, $0x3;
	s31 =	sshrl.u32 s30, $0x3  }
0x10: {  	[dreg:$0x3] =	wrdreg s24;
	s6 =	sadd.s32 s7, s11;
	s7 =	sadd.s32 s1, s8  }
0x11: {  	s1 =	sadd.s32 s31, s11;
	s11 =	simm.s32 $0x6400;
	s24 =	simm.s32 $0x8  }
.LBB2_1:
0x12: {  	s0 =	rddreg [dreg:$0x3];
	s8 =	simm.s32 $0x9  }
0x13: {  	[tilespmem:s2], [sflag:$0x9] =	stream.linear.gather [hbm4b:s0+s2], $0x6400, $0x38;
	[tilespmem:$0x13400] =	vst v63  }
0x14: {  	_ =	swait.ge [sflag:s8], $0x6400  }
0x15: {  	[sflag:s8] =	ssyncset.done $0x0  }
0x16: {  	[sflag:s8] =	ssyncadd.s32 $0xFFFF9C00  }
0x17: {  	[tilespmem:s11], [sflag:$0x1] =	stream.indirect.gather [hbm4b:s3+s10], $0x80, s2, s10, $0xb8;
	[tilespmem:$0x13400] =	vst v63  }
0x18: {  	p0 =	por $0x1, $0x1  }
0x19: {  	[tilespmem:s13], [sflag:$0x2] =	stream.indirect.gather [hbm4b:s3+s12], $0x80, s10, s12, $0xb8;
	[tilespmem:$0x13400] =	vst v63  }
0x1a: {  	s9 =	simm.s32 $0xC8;
	s8 =	simm.s32 @!p0 $0x8  }
0x1b: {  	[tilespmem:s15], [sflag:$0x3] =	stream.indirect.gather [hbm4b:s3+s10], $0x80, s9, s10, $0xb8;
	[tilespmem:$0x13400] =	vst v63  }
0x1c: {  	_ =	swait.ge @!p0 [sflag:s8], $0x3400  }
0x1d: {  	[sflag:s8] =	ssyncset.done @!p0 $0x0  }
0x1e: {  	s14 =	simm.s32 $0x128;
	[sflag:s8] =	ssyncadd.s32 @!p0 $0xFFFFCC00  }
0x1f: {  	[tilespmem:s16], [sflag:$0x4] =	stream.indirect.gather [hbm4b:s3+s12], $0x80, s14, s12, $0xb8;
	[tilespmem:$0x13400] =	vst v63  }
0x20: {  	_ =	swait.ge [sflag:s17], $0x3000  }
0x21: {  	[sflag:s17] =	ssyncset.done $0x0  }
0x22: {  	[sflag:s17] =	ssyncadd.s32 $0xFFFFD000  }
0x23: {  	[hbm4b:s7+s2] =	stream.linear.scatter [tilespmem:s11], [sflag:$0x5], $0x3000, $0x38;
	[tilespmem:$0x13400] =	vst v63  }
0x24: {  	p0 =	por $0x0, $0x0;
	_ =	swait.ge [sflag:s18], $0x3000  }
0x25: {  	s8 =	simm.s32 @!p0 $0x6400;
	[sflag:s18] =	ssyncset.done $0x0  }
0x26: {  	s26 =	simm.s32 @!p0 $0x190;
	s28 =	simm.s32 @!p0 $0x60;
	[sflag:s18] =	ssyncadd.s32 $0xFFFFD000  }
0x27: {  	[tilespmem:s8], [sflag:$0x1] =	stream.indirect.gather @!p0 [hbm4b:s3+s28], $0x80, s26, s28, $0xb8;
	[tilespmem:$0x13400] =	vst v63  }
0x28: {  	_ =	swait.ge [sflag:s19], $0x3400  }
0x29: {  	[sflag:s19] =	ssyncset.done $0x0  }
0x2a: {  	[sflag:s19] =	ssyncadd.s32 $0xFFFFCC00  }
0x2b: {  	[hbm4b:s6+s2] =	stream.linear.scatter [tilespmem:s13], [sflag:$0x6], $0x3400, $0x38;
	[tilespmem:$0x13400] =	vst v63  }
0x2c: {  	_ =	swait.ge [sflag:s20], $0x3400  }
0x2d: {  	s29 =	simm.s32 @!p0 $0x9800;
	[sflag:s20] =	ssyncset.done $0x0  }
0x2e: {  	s8 =	simm.s32 @!p0 $0x1F0;
	s26 =	simm.s32 @!p0 $0x68;
	[sflag:s20] =	ssyncadd.s32 $0xFFFFCC00  }
0x2f: {  	[tilespmem:s29], [sflag:$0x2] =	stream.indirect.gather @!p0 [hbm4b:s3+s26], $0x80, s8, s26, $0xb8;
	[tilespmem:$0x13400] =	vst v63  }
0x30: {  	_ =	swait.ge [sflag:s21], $0x3000  }
0x31: {  	[sflag:s21] =	ssyncset.done $0x0  }
0x32: {  	s26 =	sadd.s32 $0xC80, s7;
	[sflag:s21] =	ssyncadd.s32 $0xFFFFD000  }
0x33: {  	[hbm4b:s26+s2] =	stream.linear.scatter [tilespmem:s15], [sflag:$0x7], $0x3000, $0x38;
	[tilespmem:$0x13400] =	vst v63  }
0x34: {  	s30 =	simm.s32 $0x640;
	_ =	swait.ge [sflag:s22], $0x3000  }
0x35: {  	s31 =	simm.s32 $0xC80;
	p1 =	por $0x0, $0x0;
	[sflag:s22] =	ssyncset.done $0x0  }
0x36: {  	s8 =	simm.s32 @!p0 $0x258;
	s26 =	simm.s32 @!p0 $0xCC00;
	[sflag:s22] =	ssyncadd.s32 $0xFFFFD000  }
0x37: {  	[tilespmem:s26], [sflag:$0x3] =	stream.indirect.gather @!p0 [hbm4b:s3+s28], $0x80, s8, s28, $0xb8;
	[tilespmem:$0x13400] =	vst v63  }
0x38: {  	s29 =	sadd.s32 $0x1900, s6;
	s28 =	sadd.s32 $0x1900, s7;
	_ =	swait.ge [sflag:s23], $0x3400  }
0x39: {  	s26 =	sadd.s32 $0x1900, s1;
	s8 =	smov.u32 s1;
	[sflag:s23] =	ssyncset.done $0x0  }
.LBB2_2:
0x3a: {  	s0 =	simm.s32 @!p1 $0x8  }
0x3b: {  	[sflag:s23] =	ssyncadd.s32 $0xFFFFCC00;
	s14 =	smov.u32 s31;
	s31 =	sadd.s32 $0x640, s31  }
0x3c: {  	[hbm4b:s8+s2] =	stream.linear.scatter [tilespmem:s16], [sflag:$0x8], $0x3400, $0x38;
	[tilespmem:$0x13400] =	vst v63  }
0x3d: {  	p0 =	sne.s32 s31, $0x19000;
	s8 =	smov.u32 s26;
	_ =	swait.ge @!p1 [sflag:s0], $0x3400  }
0x3e: {  	s4 =	sshra.s32 s30, $0x2;
	[sflag:s0] =	ssyncset.done @!p1 $0x0  }
0x3f: {  	[sflag:s0] =	ssyncadd.s32 @!p1 $0xFFFFCC00;
	s0 =	sadd.s32 $0x128, s4  }
0x40: {  	[tilespmem:s16], [sflag:$0x4] =	stream.indirect.gather [hbm4b:s3+s12], $0x80, s0, s12, $0xb8;
	[tilespmem:$0x13400] =	vst v63  }
0x41: {  	_ =	swait.ge [sflag:s17], $0x3000  }
0x42: {  	[sflag:s17] =	ssyncset.done $0x0  }
0x43: {  	[sflag:s17] =	ssyncadd.s32 $0xFFFFD000  }
0x44: {  	[hbm4b:s28+s2] =	stream.linear.scatter [tilespmem:s11], [sflag:$0x5], $0x3000, $0x38;
	[tilespmem:$0x13400] =	vst v63  }
0x45: {  	p1 =	seq.s32 s30, $0x189C0;
	_ =	swait.ge [sflag:s18], $0x3000  }
0x46: {  	s0 =	sshra.s32 @!p1 s30, $0x2;
	s4 =	simm.s32 @!p1 $0x6400;
	[sflag:s18] =	ssyncset.done $0x0  }
0x47: {  	s5 =	simm.s32 @!p1 $0x60;
	s30 =	sadd.s32 @!p1 $0x190, s0;
	[sflag:s18] =	ssyncadd.s32 $0xFFFFD000  }
0x48: {  	[tilespmem:s4], [sflag:$0x1] =	stream.indirect.gather @!p1 [hbm4b:s3+s5], $0x80, s30, s5, $0xb8;
	[tilespmem:$0x13400] =	vst v63  }
0x49: {  	s4 =	sadd.s32 @!p1 $0x1F0, s0;
	s0 =	sadd.s32 @!p1 $0x258, s0;
	_ =	swait.ge [sflag:s19], $0x3400  }
0x4a: {  	s30 =	smov.u32 s14;
	[sflag:s19] =	ssyncset.done $0x0  }
0x4b: {  	[sflag:s19] =	ssyncadd.s32 $0xFFFFCC00  }
0x4c: {  	[hbm4b:s29+s2] =	stream.linear.scatter [tilespmem:s13], [sflag:$0x6], $0x3400, $0x38;
	[tilespmem:$0x13400] =	vst v63  }
0x4d: {  	_ =	swait.ge [sflag:s20], $0x3400  }
0x4e: {  	[sflag:s20] =	ssyncset.done $0x0  }
0x4f: {  	s9 =	simm.s32 @!p1 $0x9800;
	s14 =	simm.s32 @!p1 $0x68;
	[sflag:s20] =	ssyncadd.s32 $0xFFFFCC00  }
0x50: {  	[tilespmem:s9], [sflag:$0x2] =	stream.indirect.gather @!p1 [hbm4b:s3+s14], $0x80, s4, s14, $0xb8;
	[tilespmem:$0x13400] =	vst v63  }
0x51: {  	_ =	swait.ge [sflag:s21], $0x3000  }
0x52: {  	[sflag:s21] =	ssyncset.done $0x0  }
0x53: {  	s4 =	sadd.s32 $0xC80, s28;
	[sflag:s21] =	ssyncadd.s32 $0xFFFFD000  }
0x54: {  	[hbm4b:s4+s2] =	stream.linear.scatter [tilespmem:s15], [sflag:$0x7], $0x3000, $0x38;
	[tilespmem:$0x13400] =	vst v63  }
0x55: {  	_ =	swait.ge [sflag:s22], $0x3000  }
.Ltmp0:
0x56: {  	[sflag:s22] =	ssyncset.done $0x0;
	(pc) =	sbr.rel @p0 .LBB2_2-.Ltmp0, $4  }
0x57: {  	s4 =	simm.s32 @!p1 $0xCC00;
	[sflag:s22] =	ssyncadd.s32 $0xFFFFD000  }
0x58: {  	[tilespmem:s4], [sflag:$0x3] =	stream.indirect.gather @!p1 [hbm4b:s3+s5], $0x80, s0, s5, $0xb8;
	[tilespmem:$0x13400] =	vst v63  }
0x59: {  	s26 =	sadd.s32 $0x1900, s26;
	s28 =	sadd.s32 $0x1900, s28;
	_ =	swait.ge [sflag:s23], $0x3400  }
0x5a: {  	s29 =	sadd.s32 $0x1900, s29;
	p1 =	seq.s32 s30, $0x0;
	[sflag:s23] =	ssyncset.done $0x0  }
0x5b: {  	s0 =	simm.s32 @!p1 $0x8;
	[sflag:s23] =	ssyncadd.s32 $0xFFFFCC00  }
0x5c: {  	[hbm4b:s8+s2] =	stream.linear.scatter [tilespmem:s16], [sflag:$0x8], $0x3400, $0x38;
	[tilespmem:$0x13400] =	vst v63  }
0x5d: {  	_ =	swait.ge @!p1 [sflag:s0], $0x3400  }
0x5e: {  	s4 =	sshra.s32 s30, $0x2;
	[sflag:s0] =	ssyncset.done @!p1 $0x0  }
0x5f: {  	s14 =	sadd.s32 $0x128, s4;
	[sflag:s0] =	ssyncadd.s32 @!p1 $0xFFFFCC00  }
0x60: {  	[tilespmem:s16], [sflag:$0x4] =	stream.indirect.gather [hbm4b:s3+s12], $0x80, s14, s12, $0xb8;
	[tilespmem:$0x13400] =	vst v63  }
0x61: {  	_ =	swait.ge [sflag:s17], $0x3000  }
0x62: {  	[sflag:s17] =	ssyncset.done $0x0  }
0x63: {  	[sflag:s17] =	ssyncadd.s32 $0xFFFFD000  }
0x64: {  	[hbm4b:s28+s2] =	stream.linear.scatter [tilespmem:s11], [sflag:$0x5], $0x3000, $0x38;
	[tilespmem:$0x13400] =	vst v63  }
0x65: {  	p0 =	seq.s32 s30, $0x189C0;
	_ =	swait.ge [sflag:s18], $0x3000  }
0x66: {  	s4 =	simm.s32 @!p0 $0x6400;
	s0 =	sshra.s32 @!p0 s30, $0x2;
	[sflag:s18] =	ssyncset.done $0x0  }
0x67: {  	s8 =	simm.s32 @!p0 $0x60;
	s5 =	sadd.s32 @!p0 $0x190, s0;
	[sflag:s18] =	ssyncadd.s32 $0xFFFFD000  }
0x68: {  	[tilespmem:s4], [sflag:$0x1] =	stream.indirect.gather @!p0 [hbm4b:s3+s8], $0x80, s5, s8, $0xb8;
	[tilespmem:$0x13400] =	vst v63  }
0x69: {  	_ =	swait.ge [sflag:s19], $0x3400  }
0x6a: {  	[sflag:s19] =	ssyncset.done $0x0  }
0x6b: {  	[sflag:s19] =	ssyncadd.s32 $0xFFFFCC00  }
0x6c: {  	[hbm4b:s29+s2] =	stream.linear.scatter [tilespmem:s13], [sflag:$0x6], $0x3400, $0x38;
	[tilespmem:$0x13400] =	vst v63  }
0x6d: {  	_ =	swait.ge [sflag:s20], $0x3400  }
0x6e: {  	s9 =	simm.s32 @!p0 $0x9800;
	[sflag:s20] =	ssyncset.done $0x0  }
0x6f: {  	s4 =	sadd.s32 @!p0 $0x1F0, s0;
	s5 =	simm.s32 @!p0 $0x68;
	[sflag:s20] =	ssyncadd.s32 $0xFFFFCC00  }
0x70: {  	[tilespmem:s9], [sflag:$0x2] =	stream.indirect.gather @!p0 [hbm4b:s3+s5], $0x80, s4, s5, $0xb8;
	[tilespmem:$0x13400] =	vst v63  }
0x71: {  	_ =	swait.ge [sflag:s21], $0x3000  }
0x72: {  	[sflag:s21] =	ssyncset.done $0x0  }
0x73: {  	s30 =	sadd.s32 $0xC80, s28;
	[sflag:s21] =	ssyncadd.s32 $0xFFFFD000  }
0x74: {  	[hbm4b:s30+s2] =	stream.linear.scatter [tilespmem:s15], [sflag:$0x7], $0x3000, $0x38;
	[tilespmem:$0x13400] =	vst v63  }
0x75: {  	_ =	swait.ge [sflag:s22], $0x3000  }
0x76: {  	[sflag:s22] =	ssyncset.done $0x0  }
0x77: {  	s0 =	sadd.s32 @!p0 $0x258, s0;
	s4 =	simm.s32 @!p0 $0xCC00;
	[sflag:s22] =	ssyncadd.s32 $0xFFFFD000  }
0x78: {  	[tilespmem:s4], [sflag:$0x3] =	stream.indirect.gather @!p0 [hbm4b:s3+s8], $0x80, s0, s8, $0xb8;
	[tilespmem:$0x13400] =	vst v63  }
0x79: {  	_ =	swait.ge [sflag:s23], $0x3400  }
0x7a: {  	[sflag:s23] =	ssyncset.done $0x0  }
0x7b: {  	[sflag:s23] =	ssyncadd.s32 $0xFFFFCC00  }
0x7c: {  	[hbm4b:s26+s2] =	stream.linear.scatter [tilespmem:s16], [sflag:$0x8], $0x3400, $0x38;
	[tilespmem:$0x13400] =	vst v63  }
0x7d: {  	_ =	swait.ge [sflag:s24], $0x3400  }
0x7e: {  	s25 =	sadd.s32 $0x1, s25;
	s31 =	rddreg [dreg:$0x4]  }
0x7f: {  	p0 =	sne.s32 s25, s31  }
.Ltmp1:
0x80: {  	_ = 	snop;
	(pc) =	sbr.rel @p0 .LBB2_1-.Ltmp1, $3  }
0x81: {  	_ =	sdelay $0x1  }
0x82: {  	[sflag:s24] =	ssyncset.done $0x0  }
0x83: {  	[sflag:s24] =	ssyncadd.s32 $0xFFFFCC00  }
0x84: {  	_ =	sfence.sel $0x180000  }
0x85: {  	[bflag:$0x0] =	sbarrier.arrive $0xFFFF  }
0x86: {  	_ =	strace $0x90000047  }
0x87: {  	s0 =	stileid.u32;
	[bflag:$0x2] =	sbarrier.arrive $0xFFFF  }
0x88: {  	p0 =	sne.s32 s0, $0x0;
	s0 =	rddreg [dreg:$0x2]  }
0x89: {  	s0 =	sadd.s32 @!p0 $0x100000, s0  }
0x8a: {  	[sflag:s0] =	ssyncadd.tile.s32 @!p0 $0x1;
	_ =	shalt  }
.Lfunc_end2:
_tile_overlayer_lowered:
.L_overlay_start_2:
0x8b: {  	(tag) =	ssettag $0x2  }
0x8c: {  	s0 =	rddreg [dreg:$0x0];
	s2 =	stileid.u32  }
0x8d: {  	s1 =	rddreg [dreg:$0x1];
	p0 =	sne.s32 s2, $0x0  }
0x8e: {  	s3 =	rddreg [dreg:$0x2];
	[bflag:$0x3] =	sbarrier.arrive $0xFFFF;
	s2 =	simm.s32 @!p0 $0x1C09  }
0x8f: {  	[timem:s3], [sflag:s2] =	dma.local @!p0 [hbm:s0], s1  }
0x90: {  	s0 =	simm.s32 @!p0 $0x9  }
0x91: {  	_ =	swait.ge @!p0 [sflag:s0], s1  }
0x92: {  	s1 =	ssub.s32 @!p0 $0x0, s1;
	[sflag:s0] =	ssyncset.done @!p0 $0x0  }
0x93: {  	[sflag:s0] =	ssyncadd.s32 @!p0 s1  }
0x94: {  	[bflag:$0x3] =	sbarrier.arrive $0xFFFF  }
0x95: {  	_ =	shalt  }

// kernel: sparse-core-data-format-call.cloned.1.call-start
scs
called_computation_lowered:
.L_overlay_start_0:
0x0: {  	s2 =	sld [smem:$0x3FD9]  }
0x1: {  	s3 =	sld [smem:$0x3FFE];
	_ =	sdelay $0x1  }
0x2: {  	s1 =	srdreg.scid  }
0x3: {  	s0 =	sand.u32 $0x1, s1  }
0x4: {  	s18 =	sshll.u32 s0, $0xA;
	s2 =	sadd.s32 s3, s2  }
0x5: {  	s2 =	sadd.s32 s2, s18  }
0x6: {  	[smem:$0x3FC6] =	sst s2  }
0x7: {  	_ = 	snop  }
0x8: {  	s2 =	sld [smem:$0x3FD0];
	(tm) =	ssettm $0x1  }
0x9: {  	s19 =	sld [smem:$0x3FFB];
	_ =	sdelay $0x3  }
0xa: {  	_ =	strace s19  }
0xb: {  	s3 =	sld [smem:$0x3FFC];
	_ =	sdelay $0x3  }
0xc: {  	_ =	strace s3  }
0xd: {  	s3 =	sld [smem:$0x3FFD];
	_ =	sdelay $0x3  }
0xe: {  	_ =	strace s3  }
0xf: {  	_ =	strace $0x8FFFFFFF  }
0x10: {  	s20 =	sld [smem:$0x3FDB];
	_ =	sdelay $0x1  }
0x11: {  	s4 =	simm.s32 $_scs_section_size  }
0x12: {  	s5 =	simm.s32 $_size__tile_overlayer_lowered;
	s6 =	simm.s32 $_tile_overlayer_lowered  }
0x13: {  	s23 =	simm.s32 $0x1BFF;
	s22 =	sshll.u32 s6, $0x1;
	s3 =	sadd.s32 s4, s20  }
0x14: {  	s7 =	simm.s32 $0x0;
	s21 =	sshll.u32 s5, $0x1;
	s5 =	sadd.s32 s22, s3  }
0x15: {  	[timem:s7], [sflag:s23] =	dma.local [hbm:s5], s21  }
0x16: {  	_ =	swait.ge [sflag:s23], s21  }
0x17: {  	s4 =	ssub.s32 $0x0, s21;
	[sflag:s23] =	ssyncset.done $0x0  }
0x18: {  	[sflag:s23] =	ssyncadd.s32 s4;
	_ =	sdelay $0x1  }
0x19: {  	s24 =	simm.s32 $0x1B8B  }
0x1a: {  	_ =	swait.ge [sflag:s24], $0x1  }
0x1b: {  	[sflag:s24] =	ssyncset.done $0x0  }
0x1c: {  	s26 =	simm.s32 $0x1B8E;
	s25 =	sld [smem:$0x3FFE];
	[sflag:s24] =	ssyncadd.s32 $0xFFFFFFFF  }
0x1d: {  	s27 =	simm.s32 $execute0_lowered;
	[smem:$0x3FD2] =	sst s26  }
0x1e: {  	s5 =	sshll.u32 s27, $0x1;
	_ =	strace $0x80000049;
	[dreg:$0x1] =	wrdreg $0xFFFFFFFF  }
0x1f: {  	s28 =	simm.s32 $_size_execute0_lowered;
	s3 =	sadd.s32 s3, s5;
	[dreg:$0x0] =	wrdreg $0x0  }
0x20: {  	s5 =	sshll.u32 s28, $0x1;
	[dreg:$0x2] =	wrdreg s3  }
0x21: {  	[dreg:$0x3] =	wrdreg s5  }
0x22: {  	[dreg:$0x4] =	wrdreg $0xC0  }
0x23: {  	_ =	task [dreg:s7], $0x5FFFF  }
0x24: {  	[dreg:$0x1] =	wrdreg $0xFFFFFFFF  }
0x25: {  	[dreg:$0x0] =	wrdreg $0x60  }
0x26: {  	[dreg:$0x2] =	wrdreg s25  }
0x27: {  	[dreg:$0x3] =	wrdreg s2  }
0x28: {  	[dreg:$0x4] =	wrdreg $0x9  }
0x29: {  	_ =	task.clear_ibuf [dreg:s7], $0x5FFFF;
	_ =	strace $0x90000049  }
0x2a: {  	s29 =	simm.s32 $0x9;
	_ =	strace $0x8000004B  }
0x2b: {  	_ =	swait.ge [sflag:s29], $0x1  }
0x2c: {  	[sflag:s29] =	ssyncadd.s32 $0xFFFFFFFF  }
0x2d: {  	_ =	strace $0x9000004B  }
0x2e: {  	_ =	sfence  }
0x2f: {  	s30 =	sld [smem:$0x0];
	_ =	sdelay $0x2  }
0x30: {  	s31 =	sshll.u32 s1, $0xD;
	s1 =	sshrl.u32 s1, $0x2  }
0x31: {  	s3 =	sand.u32 $0x4000, s31;
	s1 =	sadd.s32 s1, s30  }
0x32: {  	s0 =	sor.u32 s3, s0;
	s1 =	sshll.u32 s1, $0x11  }
0x33: {  	s0 =	sor.u32 s1, s0  }
0x34: {  	s0 =	sadd.s32 $0x8F2B, s0  }
0x35: {  	[sflag:s0] =	ssyncadd.remote.s32 $0x1  }
0x36: {  	_ =	sfence.sel $0xFFFF  }
0x37: {  	[dreg:$0x0] =	wrdreg $0xFFFFFFFF;
	(pc) =	sbr.abs _section_cstart, $3  }
0x38: {  	[dreg:$0x1] =	wrdreg $0xFFFFFFFF  }
0x39: {  	_ =	task.clear_ibuf [dreg:s7], $0x2FFFF;
	_ =	strace $0x9FFFFFFF  }
0x3a: {  	(tm) =	ssettm $0x7FFFFFFF  }
0x3b: {  	_ =	shalt  }
tec
execute0_lowered:
.L_overlay_start_1:
0x0: {  	(tag) =	ssettag $0x1  }
0x1: {  	s0 =	srdreg.scid  }
0x2: {  	s1 =	sshll.u32 s0, $0x4  }
0x3: {  	s0 =	stileid.u32;
	s1 =	sand.u32 $0x10, s1  }
0x4: {  	s1 =	sor.u32 s0, s1  }
0x5: {  	s6 =	rddreg [dreg:$0x0];
	s4 =	simm.s32 $0x1;
	s2 =	sshll.u32 s1, $0x7  }
0x6: {  	s7 =	simm.s32 $0x2;
	s12 =	simm.s32 $0x0;
	s1 =	ssub.s32 $0x1000, s2  }
0x7: {  	s8 =	simm.s32 $0x8000;
	s13 =	simm.s32 $0x0;
	s3 =	sand.u32 $0xF80, s1  }
0x8: {  	s9 =	simm.s32 $0x0;
	s5 =	sshrl.u32 s1, $0xC;
	p0 =	sne.s32 s3, $0x0  }
.Ltmp0:
0x9: {  	s1 =	rddreg [dreg:$0x2];
	s4 =	simm.s32 @!p0 $0x0;
	(pc) =	sbr.rel .LBB1_1-.Ltmp0, $4  }
0xa: {  	s11 =	simm.s32 $0x0;
	s3 =	rddreg [dreg:$0x1];
	s5 =	sadd.s32 s4, s5  }
0xb: {  	_ =	strace $0x8000004A;
	s4 =	simm.s32 $0x1;
	s5 =	smul.u32 $0xC8, s5  }
0xc: {  	s6 =	sadd.s32 $0xA00, s6;
	s10 =	smov.u32 s2;
	[sflag:s4] =	ssyncpa.u1 $0x0  }
0xd: {  	p0 =	por $0x0, $0x0;
	[sflag:s7] =	ssyncpa.u1 $0x0;
	s7 =	sor.u32 $0x1, s5  }
.LBB1_4:
0xe: {  	s16 =	sshll.u32 s13, $0x3;
	s17 =	sand.u32 $0x78, s13  }
0xf: {  	s30 =	sand.u32 $0x7E00, s13;
	s12 =	sshll.u32 s12, $0xF;
	s16 =	sand.u32 $0xC00, s16  }
0x10: {  	[tilespmem:s15+$0x810 ss:$0x81] =	vst.msk $0xffff, v2;
	s31 =	sand.u32 $0x7, s13;
	s16 =	sor.u32 s17, s16;
	s17 =	sadd.s32 s3, s30  }
0x11: {  	[tilespmem:s15+$0x1020 ss:$0x81] =	vst.msk $0xffff, v0;
	s13 =	sshll.u32 s31, $0x12;
	s12 =	sadd.s32 s12, s17;
	s16 =	sshrl.u32 s16, $0x3  }
0x12: {  	[tilespmem:s15+$0x0 ss:$0x81] =	vst.msk $0xffff, v1;
	s13 =	sor.u32 $0x400, s13;
	s12 =	sadd.s32 s16, s12  }
0x13: {  	[hbm4b:s12+s13] =	stream.strided.scatter [tilespmem:s14], [sflag:$0x2], $0x2000, s8, s13, $0x20;
	[tilespmem:$0x8080] =	vst v63  }
.LBB1_5:
0x14: {  	s14 =	sadd.s32 $0x1, s9  }
0x15: {  	s12 =	sadd.s32 $0x1000, s10;
	s16 =	smov.u32 s10;
	p2 =	sgt.s32 s14, $0xC7  }
0x16: {  	s16 =	smov.u32 @p2 s12  }
0x17: {  	s14 =	simm.s32 @p2 $0x0;
	p2 =	sgt.s32 s16, $0xFFF  }
0x18: {  	s16 =	smov.u32 @p2 s2;
	p2 =	sne.s32 s11, s7  }
.Ltmp1:
0x19: {  	p1 =	slt.u32 s11, $0x2;
	(pc) =	sbr.rel @!p2 .LBB1_6-.Ltmp1, $4  }
0x1a: {  	s15 =	simm.s32 @!p1 $0x2  }
0x1b: {  	s13 =	smov.u32 s10;
	p0 =	por !p0, !p0;
	_ =	swait.ge @!p1 [sflag:s15], $0x2000  }
0x1c: {  	s12 =	smov.u32 s9;
	[sflag:s15] =	ssyncset.done @!p1 $0x0;
	s9 =	smov.u32 s14  }
0x1d: {  	s11 =	sadd.s32 $0x1, s11;
	[sflag:s15] =	ssyncadd.s32 @!p1 $0xFFFFE000;
	s10 =	smov.u32 s16  }
.LBB1_1:
0x1e: {  	p1 =	sge.u32 s11, s5  }
0x1f: {  	s14 =	sand.u32 @!p1 $0x1FFFFFF, s9  }
0x20: {  	s15 =	smulhi.u32 @!p1 $0x147AE15, s14;
	_ =	sdelay $0x1  }
0x21: {  	s15 =	smul.u32 @!p1 $0xC8, s15  }
0x22: {  	s16 =	sxor.u32 @!p1 $0xFFFFFFFF, s11;
	s17 =	smul.u32 @!p1 $0xC80, s10  }
0x23: {  	s31 =	sadd.s32 $0xFFFFFFFF, s11;
	s16 =	sshll.u32 @!p1 s16, $0xD;
	s14 =	ssub.s32 @!p1 s14, s15  }
0x24: {  	s15 =	sand.u32 @!p1 $0x2000, s16;
	s16 =	sadd.s32 @!p1 s6, s17;
	s14 =	sshll.u32 @!p1 s14, $0x4  }
0x25: {  	s17 =	simm.s32 @!p1 $0x6400;
	s14 =	sadd.s32 @!p1 s14, s16;
	s16 =	simm.s32 @!p1 $0x40  }
0x26: {  	[tilespmem:s15], [sflag:$0x1] =	stream.strided.gather @!p1 [hbm4b:s14+s16], $0x2000, s17, s16, $0x38;
	[tilespmem:$0x8080] =	vst v63  }
0x27: {  	p1 =	sge.u32 s31, s5  }
.Ltmp2:
0x28: {  	_ = 	snop;
	(pc) =	sbr.rel @p1 .LBB1_5-.Ltmp2, $1  }
0x29: {  	_ =	sdelay $0x3  }
0x2a: {  	s14 =	simm.s32 $0x1  }
0x2b: {  	_ =	swait.ge [sflag:s4], $0x2000;
	s14 =	simm.s32 @!p0 $0x0  }
0x2c: {  	[sflag:s4] =	ssyncset.done $0x0;
	s15 =	sshll.u32 s14, $0xD  }
0x2d: {  	[sflag:s4] =	ssyncadd.s32 $0xFFFFE000;
	s18 =	sor.u32 $0x20, s15  }
0x2e: {  	s14 =	smul.u32 $0x8100, s14;
	v3 =	vld [tilespmem:s18+$0x10]  }
0x2f: {  	s30 =	sand.u32 $0x1, s11;
	v2 =	vld [tilespmem:s18+$0xFFFFFFF0]  }
0x30: {  	s15 =	smul.u32 $0x8100, s30;
	s14 =	sshrl.u32 s14, $0x2;
	v0 =	vld [tilespmem:s18+$0x0]  }
0x31: {  	v1 =	vld [tilespmem:s18+$0xFFFFFFE0];
	s16 =	sor.u32 $0x4000, s14  }
0x32: {  	s31 =	sshrl.u32 s15, $0x2;
	s15 =	sadd.s32 $0x0, s16  }
0x33: {  	s17 =	simm.s32 $0x4;
	s18 =	sadd.s32 $0x40, s18;
	s14 =	sor.u32 $0x4000, s31;
	[tilespmem:s15+$0x1830 ss:$0x81] =	vst.msk $0xffff, v3  }
.LBB1_3:
0x34: {  	v3 =	vld [tilespmem:s18+$0x10];
	p1 =	sne.s32 s17, $0x1FC;
	[tilespmem:s15+$0x810 ss:$0x81] =	vst.msk $0xffff, v2;
	s19 =	smov.u32 s17;
	s17 =	sadd.s32 $0x4, s17  }
.Ltmp3:
0x35: {  	v2 =	vld [tilespmem:s18+$0xFFFFFFF0];
	[tilespmem:s15+$0x1020 ss:$0x81] =	vst.msk $0xffff, v0;
	(pc) =	sbr.rel @p1 .LBB1_3-.Ltmp3, $4  }
0x36: {  	v0 =	vld [tilespmem:s18+$0x0];
	[tilespmem:s15+$0x0 ss:$0x81] =	vst.msk $0xffff, v1  }
0x37: {  	s15 =	sshra.s32 s19, $0x2;
	v1 =	vld [tilespmem:s18+$0xFFFFFFE0]  }
0x38: {  	s15 =	sadd.s32 s15, s16  }
0x39: {  	s18 =	sadd.s32 $0x40, s18;
	[tilespmem:s15+$0x1830 ss:$0x81] =	vst.msk $0xffff, v3  }
.Ltmp4:
0x3a: {  	_ = 	snop;
	(pc) =	sbr.rel .LBB1_4-.Ltmp4, $1  }
0x3b: {  	_ =	sdelay $0x3  }
.LBB1_6:
0x3c: {  	_ =	sfence.sel $0x180000  }
0x3d: {  	s2 =	simm.s32 $0x1;
	[bflag:$0x0] =	sbarrier.arrive $0xFFFF  }
0x3e: {  	s31 =	simm.s32 $0x2;
	[sflag:s2] =	ssyncpa.u1 $0x1  }
0x3f: {  	[sflag:s31] =	ssyncpa.u1 $0x1  }
0x40: {  	p0 =	sne.s32 s0, $0x0;
	_ =	strace $0x9000004A  }
0x41: {  	s0 =	sadd.s32 @!p0 $0x100000, s1;
	[bflag:$0x2] =	sbarrier.arrive $0xFFFF  }
0x42: {  	[sflag:s0] =	ssyncadd.tile.s32 @!p0 $0x1;
	_ =	shalt  }
.Lfunc_end1:
_tile_overlayer_lowered:
.L_overlay_start_2:
0x43: {  	(tag) =	ssettag $0x2  }
0x44: {  	s0 =	rddreg [dreg:$0x0];
	s2 =	stileid.u32  }
0x45: {  	s1 =	rddreg [dreg:$0x1];
	p0 =	sne.s32 s2, $0x0  }
0x46: {  	s3 =	rddreg [dreg:$0x2];
	[bflag:$0x3] =	sbarrier.arrive $0xFFFF;
	s2 =	simm.s32 @!p0 $0x1C01  }
0x47: {  	[timem:s3], [sflag:s2] =	dma.local @!p0 [hbm:s0], s1  }
0x48: {  	s0 =	simm.s32 @!p0 $0x1  }
0x49: {  	_ =	swait.ge @!p0 [sflag:s0], s1  }
0x4a: {  	s1 =	ssub.s32 @!p0 $0x0, s1;
	[sflag:s0] =	ssyncset.done @!p0 $0x0  }
0x4b: {  	[sflag:s0] =	ssyncadd.s32 @!p0 s1  }
0x4c: {  	[bflag:$0x3] =	sbarrier.arrive $0xFFFF  }
0x4d: {  	_ =	shalt  }

</sc_bundles>
